<compile_context>
chip_gen: v7x
topology: tpu7x:2x2x1
jax: 0.10.2.dev20260603
libtpu: 0.0.44.dev20260713+nightly
codegen_flags: <defaults>
</compile_context>

<pallas_src>
import jax
import jax.numpy as jnp
from jax import lax
from jax.experimental import pallas as pl
from jax.experimental.pallas import tpu as pltpu
from jax.experimental.pallas import tpu_sc as plsc

S, B, D = 8192, 4, 1024
NC, NS = 2, 16
NW = NC * NS
POS_PER_W = S // NW
CP = 4
NCHUNK = POS_PER_W // CP
NV = D // 16
NBUF = 6
LOOK = NBUF - 1


def _body(x_hbm, pos_hbm, out_hbm, xbuf, pbuf, semx, semp, semo):
    wid = lax.axis_index("s") * NC + lax.axis_index("c")
    s_base = wid * POS_PER_W

    def issue_in(j, slot):
        s0 = s_base + j * CP
        pltpu.async_copy(x_hbm.at[pl.ds(s0, CP)], xbuf.at[slot],
                         semx.at[slot])
        pltpu.async_copy(pos_hbm.at[pl.ds(s0, CP)], pbuf.at[slot],
                         semp.at[slot])

    def wait_in(slot):
        pltpu.make_async_copy(x_hbm.at[pl.ds(0, CP)], xbuf.at[slot],
                              semx.at[slot]).wait()
        pltpu.make_async_copy(pos_hbm.at[pl.ds(0, CP)], pbuf.at[slot],
                              semp.at[slot]).wait()

    def issue_out(j, slot):
        s0 = s_base + j * CP
        pltpu.async_copy(xbuf.at[slot], out_hbm.at[pl.ds(s0, CP)],
                         semo.at[slot])

    def wait_out(slot):
        pltpu.make_async_copy(xbuf.at[slot], out_hbm.at[pl.ds(0, CP)],
                              semo.at[slot]).wait()

    for k in range(LOOK):
        issue_in(k, k)

    def chunk_body(j, carry):
        slot = lax.rem(j, NBUF)
        nslot = lax.rem(j + LOOK, NBUF)
        wait_in(slot)
        xs = xbuf.at[slot]
        ps = pbuf.at[slot]

        @plsc.parallel_loop(0, NV, unroll=4)
        def vec_body(v):
            sl = pl.ds(v * 16, 16)
            for p in range(CP):
                pv = ps[p, sl]
                for b in range(B):
                    xs[p, b, sl] = xs[p, b, sl] + pv
        issue_out(j, slot)

        @pl.when(jnp.logical_and(j >= 1, j + LOOK < NCHUNK))
        def _():
            wait_out(nslot)

        @pl.when(j + LOOK < NCHUNK)
        def _():
            issue_in(j + LOOK, nslot)

        return carry

    lax.fori_loop(0, NCHUNK, chunk_body, 0)
    for s in range(NBUF):
        wait_out(s)


@jax.jit
def kernel(x, pos_emb):
    mesh = plsc.VectorSubcoreMesh(core_axis_name="c", subcore_axis_name="s")
    return pl.kernel(
        _body,
        out_type=jax.ShapeDtypeStruct((S, B, D), jnp.float32),
        mesh=mesh,
        scratch_types=[
            pltpu.VMEM((NBUF, CP, B, D), jnp.float32),
            pltpu.VMEM((NBUF, CP, D), jnp.float32),
            pltpu.SemaphoreType.DMA((NBUF,)),
            pltpu.SemaphoreType.DMA((NBUF,)),
            pltpu.SemaphoreType.DMA((NBUF,)),
        ],
    )(x, pos_emb)

# --- scband reference (transcript-rebuilt; emitter-appended) ---
"""Pipeline reference for scband-learned-positional-encoding-59176059404648 (READ-ONLY COPY).

The authoritative reference and input builder live on the scoring server;
editing this copy changes nothing except your own understanding.
"""

import jax, jax.numpy as jnp
import numpy as np

S, B, D = 8192, 4, 1024
MAX_LEN = 8192

def setup_inputs(seed: int = 0) -> dict:
    key = jax.random.key(seed)
    kx, kw = jax.random.split(key)
    x = jax.random.normal(kx, (S, B, D), dtype=jnp.float32)
    # nn.Embedding default init: N(0, 1)
    pos_emb = jax.random.normal(kw, (MAX_LEN, D), dtype=jnp.float32)
    return {"x": x, "pos_emb": pos_emb}

def reference(x, pos_emb):
    s, b, d = x.shape
    # position_indices = arange(S).unsqueeze(1).expand(-1, B) -> [S, B]
    position_indices = jnp.broadcast_to(jnp.arange(s)[:, None], (s, b))
    # embedding lookup (gather) -> [S, B, D]
    positional_encodings = jnp.take(pos_emb, position_indices, axis=0)
    return x + positional_encodings

if __name__ == "__main__":
    import jax
    _d = setup_inputs()
    print(jax.jit(kernel)(*tuple(_d.values())))

</pallas_src>

<mosaic_0001>
#map = affine_map<(d0, d1) -> (0, 0, 0)>
#map1 = affine_map<(d0, d1) -> (0, 0)>
module attributes {stable_mosaic.version = 14 : i64} {
  func.func @_body(%arg0: i32, %arg1: i32, %arg2: memref<8192x4x1024xf32, #tpu.memory_space<hbm>>, %arg3: memref<8192x1024xf32, #tpu.memory_space<hbm>>, %arg4: memref<8192x4x1024xf32, #tpu.memory_space<hbm>>, %arg5: memref<6x4x4x1024xf32, #tpu.memory_space<vmem>>, %arg6: memref<6x4x1024xf32, #tpu.memory_space<vmem>>, %arg7: memref<6x!tpu.dma_semaphore, #tpu.memory_space<semaphore_mem>>, %arg8: memref<6x!tpu.dma_semaphore, #tpu.memory_space<semaphore_mem>>, %arg9: memref<6x!tpu.dma_semaphore, #tpu.memory_space<semaphore_mem>>) attributes {dimension_semantics = [#tpu.dimension_semantics<core_parallel>, #tpu.dimension_semantics<subcore_parallel>], iteration_bounds = array<i64: 2, 16>, scalar_prefetch = 0 : i64, scratch_operands = 5 : i64, tpu.core_type = #tpu.core_type<sc_vector_subcore>, window_params = [{transform_indices = #map}, {transform_indices = #map1}, {transform_indices = #map}]} {
    %mul3A = arith.constant 2 : i32
    %mul3A_0 = arith.muli %arg1, %mul3A : i32
    %add3A = arith.addi %mul3A_0, %arg0 : i32
    %mul3A_1 = arith.constant 256 : i32
    %mul3A_2 = arith.muli %add3A, %mul3A_1 : i32
    %add3A_3 = arith.constant 0 : i32
    %add3A_4 = arith.addi %mul3A_2, %add3A_3 : i32
    %dma_start3A = arith.constant 0 : i32
    %dma_start3A_5 = arith.constant 0 : i32
    %dma_start3A_6 = arith.constant 0 : i32
    %dma_start3A_7 = arith.constant 0 : i32
    %dma_start3A_8 = arith.constant 0 : i32
    %dma_start3A_9 = tpu.memref_slice %arg5[%dma_start3A, %dma_start3A_6, %dma_start3A_7, %dma_start3A_8] : memref<6x4x4x1024xf32, #tpu.memory_space<vmem>> -> memref<1x4x4x1024xf32, #tpu.memory_space<vmem>>
    %dma_start3A_10 = tpu.memref_squeeze %dma_start3A_9 : memref<1x4x4x1024xf32, #tpu.memory_space<vmem>> -> memref<4x4x1024xf32, #tpu.memory_space<vmem>>
    %dma_start3A_11 = arith.constant 0 : i32
    %dma_start3A_12 = arith.constant 0 : i32
    %dma_start3A_13 = tpu.memref_slice %arg2[%add3A_4, %dma_start3A_11, %dma_start3A_12] : memref<8192x4x1024xf32, #tpu.memory_space<hbm>> -> memref<4x4x1024xf32, #tpu.memory_space<hbm>>
    %dma_start3A_14 = tpu.memref_slice %arg7[%dma_start3A_5] : memref<6x!tpu.dma_semaphore, #tpu.memory_space<semaphore_mem>> -> memref<1x!tpu.dma_semaphore, #tpu.memory_space<semaphore_mem>>
    %dma_start3A_15 = tpu.memref_squeeze %dma_start3A_14 : memref<1x!tpu.dma_semaphore, #tpu.memory_space<semaphore_mem>> -> memref<!tpu.dma_semaphore, #tpu.memory_space<semaphore_mem>>
    %dma_start3A_16 = arith.constant 0 : i32
    %dma_start3A_17 = arith.constant 0 : i32
    %dma_start3A_18 = arith.constant 0 : i32
    %dma_start3A_19 = tpu.memref_slice %arg5[%dma_start3A, %dma_start3A_16, %dma_start3A_17, %dma_start3A_18] : memref<6x4x4x1024xf32, #tpu.memory_space<vmem>> -> memref<1x4x4x1024xf32, #tpu.memory_space<vmem>>
    %dma_start3A_20 = tpu.memref_squeeze %dma_start3A_19 : memref<1x4x4x1024xf32, #tpu.memory_space<vmem>> -> memref<4x4x1024xf32, #tpu.memory_space<vmem>>
    %dma_start3A_21 = arith.constant 0 : i32
    %dma_start3A_22 = arith.constant 0 : i32
    %dma_start3A_23 = tpu.memref_slice %arg2[%add3A_4, %dma_start3A_21, %dma_start3A_22] : memref<8192x4x1024xf32, #tpu.memory_space<hbm>> -> memref<4x4x1024xf32, #tpu.memory_space<hbm>>
    tpu.enqueue_dma source(%dma_start3A_23 : memref<4x4x1024xf32, #tpu.memory_space<hbm>>) target(%dma_start3A_20 : memref<4x4x1024xf32, #tpu.memory_space<vmem>>) target_semaphore(%dma_start3A_15 : memref<!tpu.dma_semaphore, #tpu.memory_space<semaphore_mem>>)
    %dma_start3A_24 = arith.constant 0 : i32
    %dma_start3A_25 = arith.constant 0 : i32
    %dma_start3A_26 = arith.constant 0 : i32
    %dma_start3A_27 = arith.constant 0 : i32
    %dma_start3A_28 = tpu.memref_slice %arg6[%dma_start3A_24, %dma_start3A_26, %dma_start3A_27] : memref<6x4x1024xf32, #tpu.memory_space<vmem>> -> memref<1x4x1024xf32, #tpu.memory_space<vmem>>
    %dma_start3A_29 = tpu.memref_squeeze %dma_start3A_28 : memref<1x4x1024xf32, #tpu.memory_space<vmem>> -> memref<4x1024xf32, #tpu.memory_space<vmem>>
    %dma_start3A_30 = arith.constant 0 : i32
    %dma_start3A_31 = tpu.memref_slice %arg3[%add3A_4, %dma_start3A_30] : memref<8192x1024xf32, #tpu.memory_space<hbm>> -> memref<4x1024xf32, #tpu.memory_space<hbm>>
    %dma_start3A_32 = tpu.memref_slice %arg8[%dma_start3A_25] : memref<6x!tpu.dma_semaphore, #tpu.memory_space<semaphore_mem>> -> memref<1x!tpu.dma_semaphore, #tpu.memory_space<semaphore_mem>>
    %dma_start3A_33 = tpu.memref_squeeze %dma_start3A_32 : memref<1x!tpu.dma_semaphore, #tpu.memory_space<semaphore_mem>> -> memref<!tpu.dma_semaphore, #tpu.memory_space<semaphore_mem>>
    %dma_start3A_34 = arith.constant 0 : i32
    %dma_start3A_35 = arith.constant 0 : i32
    %dma_start3A_36 = tpu.memref_slice %arg6[%dma_start3A_24, %dma_start3A_34, %dma_start3A_35] : memref<6x4x1024xf32, #tpu.memory_space<vmem>> -> memref<1x4x1024xf32, #tpu.memory_space<vmem>>
    %dma_start3A_37 = tpu.memref_squeeze %dma_start3A_36 : memref<1x4x1024xf32, #tpu.memory_space<vmem>> -> memref<4x1024xf32, #tpu.memory_space<vmem>>
    %dma_start3A_38 = arith.constant 0 : i32
    %dma_start3A_39 = tpu.memref_slice %arg3[%add3A_4, %dma_start3A_38] : memref<8192x1024xf32, #tpu.memory_space<hbm>> -> memref<4x1024xf32, #tpu.memory_space<hbm>>
    tpu.enqueue_dma source(%dma_start3A_39 : memref<4x1024xf32, #tpu.memory_space<hbm>>) target(%dma_start3A_37 : memref<4x1024xf32, #tpu.memory_space<vmem>>) target_semaphore(%dma_start3A_33 : memref<!tpu.dma_semaphore, #tpu.memory_space<semaphore_mem>>)
    %add3A_40 = arith.constant 4 : i32
    %add3A_41 = arith.addi %mul3A_2, %add3A_40 : i32
    %dma_start3A_42 = arith.constant 1 : i32
    %dma_start3A_43 = arith.constant 1 : i32
    %dma_start3A_44 = arith.constant 0 : i32
    %dma_start3A_45 = arith.constant 0 : i32
    %dma_start3A_46 = arith.constant 0 : i32
    %dma_start3A_47 = tpu.memref_slice %arg5[%dma_start3A_42, %dma_start3A_44, %dma_start3A_45, %dma_start3A_46] : memref<6x4x4x1024xf32, #tpu.memory_space<vmem>> -> memref<1x4x4x1024xf32, #tpu.memory_space<vmem>>
    %dma_start3A_48 = tpu.memref_squeeze %dma_start3A_47 : memref<1x4x4x1024xf32, #tpu.memory_space<vmem>> -> memref<4x4x1024xf32, #tpu.memory_space<vmem>>
    %dma_start3A_49 = arith.constant 0 : i32
    %dma_start3A_50 = arith.constant 0 : i32
    %dma_start3A_51 = tpu.memref_slice %arg2[%add3A_41, %dma_start3A_49, %dma_start3A_50] : memref<8192x4x1024xf32, #tpu.memory_space<hbm>> -> memref<4x4x1024xf32, #tpu.memory_space<hbm>>
    %dma_start3A_52 = tpu.memref_slice %arg7[%dma_start3A_43] : memref<6x!tpu.dma_semaphore, #tpu.memory_space<semaphore_mem>> -> memref<1x!tpu.dma_semaphore, #tpu.memory_space<semaphore_mem>>
    %dma_start3A_53 = tpu.memref_squeeze %dma_start3A_52 : memref<1x!tpu.dma_semaphore, #tpu.memory_space<semaphore_mem>> -> memref<!tpu.dma_semaphore, #tpu.memory_space<semaphore_mem>>
    %dma_start3A_54 = arith.constant 0 : i32
    %dma_start3A_55 = arith.constant 0 : i32
    %dma_start3A_56 = arith.constant 0 : i32
    %dma_start3A_57 = tpu.memref_slice %arg5[%dma_start3A_42, %dma_start3A_54, %dma_start3A_55, %dma_start3A_56] : memref<6x4x4x1024xf32, #tpu.memory_space<vmem>> -> memref<1x4x4x1024xf32, #tpu.memory_space<vmem>>
    %dma_start3A_58 = tpu.memref_squeeze %dma_start3A_57 : memref<1x4x4x1024xf32, #tpu.memory_space<vmem>> -> memref<4x4x1024xf32, #tpu.memory_space<vmem>>
    %dma_start3A_59 = arith.constant 0 : i32
    %dma_start3A_60 = arith.constant 0 : i32
    %dma_start3A_61 = tpu.memref_slice %arg2[%add3A_41, %dma_start3A_59, %dma_start3A_60] : memref<8192x4x1024xf32, #tpu.memory_space<hbm>> -> memref<4x4x1024xf32, #tpu.memory_space<hbm>>
    tpu.enqueue_dma source(%dma_start3A_61 : memref<4x4x1024xf32, #tpu.memory_space<hbm>>) target(%dma_start3A_58 : memref<4x4x1024xf32, #tpu.memory_space<vmem>>) target_semaphore(%dma_start3A_53 : memref<!tpu.dma_semaphore, #tpu.memory_space<semaphore_mem>>)
    %dma_start3A_62 = arith.constant 1 : i32
    %dma_start3A_63 = arith.constant 1 : i32
    %dma_start3A_64 = arith.constant 0 : i32
    %dma_start3A_65 = arith.constant 0 : i32
    %dma_start3A_66 = tpu.memref_slice %arg6[%dma_start3A_62, %dma_start3A_64, %dma_start3A_65] : memref<6x4x1024xf32, #tpu.memory_space<vmem>> -> memref<1x4x1024xf32, #tpu.memory_space<vmem>>
    %dma_start3A_67 = tpu.memref_squeeze %dma_start3A_66 : memref<1x4x1024xf32, #tpu.memory_space<vmem>> -> memref<4x1024xf32, #tpu.memory_space<vmem>>
    %dma_start3A_68 = arith.constant 0 : i32
    %dma_start3A_69 = tpu.memref_slice %arg3[%add3A_41, %dma_start3A_68] : memref<8192x1024xf32, #tpu.memory_space<hbm>> -> memref<4x1024xf32, #tpu.memory_space<hbm>>
    %dma_start3A_70 = tpu.memref_slice %arg8[%dma_start3A_63] : memref<6x!tpu.dma_semaphore, #tpu.memory_space<semaphore_mem>> -> memref<1x!tpu.dma_semaphore, #tpu.memory_space<semaphore_mem>>
    %dma_start3A_71 = tpu.memref_squeeze %dma_start3A_70 : memref<1x!tpu.dma_semaphore, #tpu.memory_space<semaphore_mem>> -> memref<!tpu.dma_semaphore, #tpu.memory_space<semaphore_mem>>
    %dma_start3A_72 = arith.constant 0 : i32
    %dma_start3A_73 = arith.constant 0 : i32
    %dma_start3A_74 = tpu.memref_slice %arg6[%dma_start3A_62, %dma_start3A_72, %dma_start3A_73] : memref<6x4x1024xf32, #tpu.memory_space<vmem>> -> memref<1x4x1024xf32, #tpu.memory_space<vmem>>
    %dma_start3A_75 = tpu.memref_squeeze %dma_start3A_74 : memref<1x4x1024xf32, #tpu.memory_space<vmem>> -> memref<4x1024xf32, #tpu.memory_space<vmem>>
    %dma_start3A_76 = arith.constant 0 : i32
    %dma_start3A_77 = tpu.memref_slice %arg3[%add3A_41, %dma_start3A_76] : memref<8192x1024xf32, #tpu.memory_space<hbm>> -> memref<4x1024xf32, #tpu.memory_space<hbm>>
    tpu.enqueue_dma source(%dma_start3A_77 : memref<4x1024xf32, #tpu.memory_space<hbm>>) target(%dma_start3A_75 : memref<4x1024xf32, #tpu.memory_space<vmem>>) target_semaphore(%dma_start3A_71 : memref<!tpu.dma_semaphore, #tpu.memory_space<semaphore_mem>>)
    %add3A_78 = arith.constant 8 : i32
    %add3A_79 = arith.addi %mul3A_2, %add3A_78 : i32
    %dma_start3A_80 = arith.constant 2 : i32
    %dma_start3A_81 = arith.constant 2 : i32
    %dma_start3A_82 = arith.constant 0 : i32
    %dma_start3A_83 = arith.constant 0 : i32
    %dma_start3A_84 = arith.constant 0 : i32
    %dma_start3A_85 = tpu.memref_slice %arg5[%dma_start3A_80, %dma_start3A_82, %dma_start3A_83, %dma_start3A_84] : memref<6x4x4x1024xf32, #tpu.memory_space<vmem>> -> memref<1x4x4x1024xf32, #tpu.memory_space<vmem>>
    %dma_start3A_86 = tpu.memref_squeeze %dma_start3A_85 : memref<1x4x4x1024xf32, #tpu.memory_space<vmem>> -> memref<4x4x1024xf32, #tpu.memory_space<vmem>>
    %dma_start3A_87 = arith.constant 0 : i32
    %dma_start3A_88 = arith.constant 0 : i32
    %dma_start3A_89 = tpu.memref_slice %arg2[%add3A_79, %dma_start3A_87, %dma_start3A_88] : memref<8192x4x1024xf32, #tpu.memory_space<hbm>> -> memref<4x4x1024xf32, #tpu.memory_space<hbm>>
    %dma_start3A_90 = tpu.memref_slice %arg7[%dma_start3A_81] : memref<6x!tpu.dma_semaphore, #tpu.memory_space<semaphore_mem>> -> memref<1x!tpu.dma_semaphore, #tpu.memory_space<semaphore_mem>>
    %dma_start3A_91 = tpu.memref_squeeze %dma_start3A_90 : memref<1x!tpu.dma_semaphore, #tpu.memory_space<semaphore_mem>> -> memref<!tpu.dma_semaphore, #tpu.memory_space<semaphore_mem>>
    %dma_start3A_92 = arith.constant 0 : i32
    %dma_start3A_93 = arith.constant 0 : i32
    %dma_start3A_94 = arith.constant 0 : i32
    %dma_start3A_95 = tpu.memref_slice %arg5[%dma_start3A_80, %dma_start3A_92, %dma_start3A_93, %dma_start3A_94] : memref<6x4x4x1024xf32, #tpu.memory_space<vmem>> -> memref<1x4x4x1024xf32, #tpu.memory_space<vmem>>
    %dma_start3A_96 = tpu.memref_squeeze %dma_start3A_95 : memref<1x4x4x1024xf32, #tpu.memory_space<vmem>> -> memref<4x4x1024xf32, #tpu.memory_space<vmem>>
    %dma_start3A_97 = arith.constant 0 : i32
    %dma_start3A_98 = arith.constant 0 : i32
    %dma_start3A_99 = tpu.memref_slice %arg2[%add3A_79, %dma_start3A_97, %dma_start3A_98] : memref<8192x4x1024xf32, #tpu.memory_space<hbm>> -> memref<4x4x1024xf32, #tpu.memory_space<hbm>>
    tpu.enqueue_dma source(%dma_start3A_99 : memref<4x4x1024xf32, #tpu.memory_space<hbm>>) target(%dma_start3A_96 : memref<4x4x1024xf32, #tpu.memory_space<vmem>>) target_semaphore(%dma_start3A_91 : memref<!tpu.dma_semaphore, #tpu.memory_space<semaphore_mem>>)
    %dma_start3A_100 = arith.constant 2 : i32
    %dma_start3A_101 = arith.constant 2 : i32
    %dma_start3A_102 = arith.constant 0 : i32
    %dma_start3A_103 = arith.constant 0 : i32
    %dma_start3A_104 = tpu.memref_slice %arg6[%dma_start3A_100, %dma_start3A_102, %dma_start3A_103] : memref<6x4x1024xf32, #tpu.memory_space<vmem>> -> memref<1x4x1024xf32, #tpu.memory_space<vmem>>
    %dma_start3A_105 = tpu.memref_squeeze %dma_start3A_104 : memref<1x4x1024xf32, #tpu.memory_space<vmem>> -> memref<4x1024xf32, #tpu.memory_space<vmem>>
    %dma_start3A_106 = arith.constant 0 : i32
    %dma_start3A_107 = tpu.memref_slice %arg3[%add3A_79, %dma_start3A_106] : memref<8192x1024xf32, #tpu.memory_space<hbm>> -> memref<4x1024xf32, #tpu.memory_space<hbm>>
    %dma_start3A_108 = tpu.memref_slice %arg8[%dma_start3A_101] : memref<6x!tpu.dma_semaphore, #tpu.memory_space<semaphore_mem>> -> memref<1x!tpu.dma_semaphore, #tpu.memory_space<semaphore_mem>>
    %dma_start3A_109 = tpu.memref_squeeze %dma_start3A_108 : memref<1x!tpu.dma_semaphore, #tpu.memory_space<semaphore_mem>> -> memref<!tpu.dma_semaphore, #tpu.memory_space<semaphore_mem>>
    %dma_start3A_110 = arith.constant 0 : i32
    %dma_start3A_111 = arith.constant 0 : i32
    %dma_start3A_112 = tpu.memref_slice %arg6[%dma_start3A_100, %dma_start3A_110, %dma_start3A_111] : memref<6x4x1024xf32, #tpu.memory_space<vmem>> -> memref<1x4x1024xf32, #tpu.memory_space<vmem>>
    %dma_start3A_113 = tpu.memref_squeeze %dma_start3A_112 : memref<1x4x1024xf32, #tpu.memory_space<vmem>> -> memref<4x1024xf32, #tpu.memory_space<vmem>>
    %dma_start3A_114 = arith.constant 0 : i32
    %dma_start3A_115 = tpu.memref_slice %arg3[%add3A_79, %dma_start3A_114] : memref<8192x1024xf32, #tpu.memory_space<hbm>> -> memref<4x1024xf32, #tpu.memory_space<hbm>>
    tpu.enqueue_dma source(%dma_start3A_115 : memref<4x1024xf32, #tpu.memory_space<hbm>>) target(%dma_start3A_113 : memref<4x1024xf32, #tpu.memory_space<vmem>>) target_semaphore(%dma_start3A_109 : memref<!tpu.dma_semaphore, #tpu.memory_space<semaphore_mem>>)
    %add3A_116 = arith.constant 12 : i32
    %add3A_117 = arith.addi %mul3A_2, %add3A_116 : i32
    %dma_start3A_118 = arith.constant 3 : i32
    %dma_start3A_119 = arith.constant 3 : i32
    %dma_start3A_120 = arith.constant 0 : i32
    %dma_start3A_121 = arith.constant 0 : i32
    %dma_start3A_122 = arith.constant 0 : i32
    %dma_start3A_123 = tpu.memref_slice %arg5[%dma_start3A_118, %dma_start3A_120, %dma_start3A_121, %dma_start3A_122] : memref<6x4x4x1024xf32, #tpu.memory_space<vmem>> -> memref<1x4x4x1024xf32, #tpu.memory_space<vmem>>
    %dma_start3A_124 = tpu.memref_squeeze %dma_start3A_123 : memref<1x4x4x1024xf32, #tpu.memory_space<vmem>> -> memref<4x4x1024xf32, #tpu.memory_space<vmem>>
    %dma_start3A_125 = arith.constant 0 : i32
    %dma_start3A_126 = arith.constant 0 : i32
    %dma_start3A_127 = tpu.memref_slice %arg2[%add3A_117, %dma_start3A_125, %dma_start3A_126] : memref<8192x4x1024xf32, #tpu.memory_space<hbm>> -> memref<4x4x1024xf32, #tpu.memory_space<hbm>>
    %dma_start3A_128 = tpu.memref_slice %arg7[%dma_start3A_119] : memref<6x!tpu.dma_semaphore, #tpu.memory_space<semaphore_mem>> -> memref<1x!tpu.dma_semaphore, #tpu.memory_space<semaphore_mem>>
    %dma_start3A_129 = tpu.memref_squeeze %dma_start3A_128 : memref<1x!tpu.dma_semaphore, #tpu.memory_space<semaphore_mem>> -> memref<!tpu.dma_semaphore, #tpu.memory_space<semaphore_mem>>
    %dma_start3A_130 = arith.constant 0 : i32
    %dma_start3A_131 = arith.constant 0 : i32
    %dma_start3A_132 = arith.constant 0 : i32
    %dma_start3A_133 = tpu.memref_slice %arg5[%dma_start3A_118, %dma_start3A_130, %dma_start3A_131, %dma_start3A_132] : memref<6x4x4x1024xf32, #tpu.memory_space<vmem>> -> memref<1x4x4x1024xf32, #tpu.memory_space<vmem>>
    %dma_start3A_134 = tpu.memref_squeeze %dma_start3A_133 : memref<1x4x4x1024xf32, #tpu.memory_space<vmem>> -> memref<4x4x1024xf32, #tpu.memory_space<vmem>>
    %dma_start3A_135 = arith.constant 0 : i32
    %dma_start3A_136 = arith.constant 0 : i32
    %dma_start3A_137 = tpu.memref_slice %arg2[%add3A_117, %dma_start3A_135, %dma_start3A_136] : memref<8192x4x1024xf32, #tpu.memory_space<hbm>> -> memref<4x4x1024xf32, #tpu.memory_space<hbm>>
    tpu.enqueue_dma source(%dma_start3A_137 : memref<4x4x1024xf32, #tpu.memory_space<hbm>>) target(%dma_start3A_134 : memref<4x4x1024xf32, #tpu.memory_space<vmem>>) target_semaphore(%dma_start3A_129 : memref<!tpu.dma_semaphore, #tpu.memory_space<semaphore_mem>>)
    %dma_start3A_138 = arith.constant 3 : i32
    %dma_start3A_139 = arith.constant 3 : i32
    %dma_start3A_140 = arith.constant 0 : i32
    %dma_start3A_141 = arith.constant 0 : i32
    %dma_start3A_142 = tpu.memref_slice %arg6[%dma_start3A_138, %dma_start3A_140, %dma_start3A_141] : memref<6x4x1024xf32, #tpu.memory_space<vmem>> -> memref<1x4x1024xf32, #tpu.memory_space<vmem>>
    %dma_start3A_143 = tpu.memref_squeeze %dma_start3A_142 : memref<1x4x1024xf32, #tpu.memory_space<vmem>> -> memref<4x1024xf32, #tpu.memory_space<vmem>>
    %dma_start3A_144 = arith.constant 0 : i32
    %dma_start3A_145 = tpu.memref_slice %arg3[%add3A_117, %dma_start3A_144] : memref<8192x1024xf32, #tpu.memory_space<hbm>> -> memref<4x1024xf32, #tpu.memory_space<hbm>>
    %dma_start3A_146 = tpu.memref_slice %arg8[%dma_start3A_139] : memref<6x!tpu.dma_semaphore, #tpu.memory_space<semaphore_mem>> -> memref<1x!tpu.dma_semaphore, #tpu.memory_space<semaphore_mem>>
    %dma_start3A_147 = tpu.memref_squeeze %dma_start3A_146 : memref<1x!tpu.dma_semaphore, #tpu.memory_space<semaphore_mem>> -> memref<!tpu.dma_semaphore, #tpu.memory_space<semaphore_mem>>
    %dma_start3A_148 = arith.constant 0 : i32
    %dma_start3A_149 = arith.constant 0 : i32
    %dma_start3A_150 = tpu.memref_slice %arg6[%dma_start3A_138, %dma_start3A_148, %dma_start3A_149] : memref<6x4x1024xf32, #tpu.memory_space<vmem>> -> memref<1x4x1024xf32, #tpu.memory_space<vmem>>
    %dma_start3A_151 = tpu.memref_squeeze %dma_start3A_150 : memref<1x4x1024xf32, #tpu.memory_space<vmem>> -> memref<4x1024xf32, #tpu.memory_space<vmem>>
    %dma_start3A_152 = arith.constant 0 : i32
    %dma_start3A_153 = tpu.memref_slice %arg3[%add3A_117, %dma_start3A_152] : memref<8192x1024xf32, #tpu.memory_space<hbm>> -> memref<4x1024xf32, #tpu.memory_space<hbm>>
    tpu.enqueue_dma source(%dma_start3A_153 : memref<4x1024xf32, #tpu.memory_space<hbm>>) target(%dma_start3A_151 : memref<4x1024xf32, #tpu.memory_space<vmem>>) target_semaphore(%dma_start3A_147 : memref<!tpu.dma_semaphore, #tpu.memory_space<semaphore_mem>>)
    %add3A_154 = arith.constant 16 : i32
    %add3A_155 = arith.addi %mul3A_2, %add3A_154 : i32
    %dma_start3A_156 = arith.constant 4 : i32
    %dma_start3A_157 = arith.constant 4 : i32
    %dma_start3A_158 = arith.constant 0 : i32
    %dma_start3A_159 = arith.constant 0 : i32
    %dma_start3A_160 = arith.constant 0 : i32
    %dma_start3A_161 = tpu.memref_slice %arg5[%dma_start3A_156, %dma_start3A_158, %dma_start3A_159, %dma_start3A_160] : memref<6x4x4x1024xf32, #tpu.memory_space<vmem>> -> memref<1x4x4x1024xf32, #tpu.memory_space<vmem>>
    %dma_start3A_162 = tpu.memref_squeeze %dma_start3A_161 : memref<1x4x4x1024xf32, #tpu.memory_space<vmem>> -> memref<4x4x1024xf32, #tpu.memory_space<vmem>>
    %dma_start3A_163 = arith.constant 0 : i32
    %dma_start3A_164 = arith.constant 0 : i32
    %dma_start3A_165 = tpu.memref_slice %arg2[%add3A_155, %dma_start3A_163, %dma_start3A_164] : memref<8192x4x1024xf32, #tpu.memory_space<hbm>> -> memref<4x4x1024xf32, #tpu.memory_space<hbm>>
    %dma_start3A_166 = tpu.memref_slice %arg7[%dma_start3A_157] : memref<6x!tpu.dma_semaphore, #tpu.memory_space<semaphore_mem>> -> memref<1x!tpu.dma_semaphore, #tpu.memory_space<semaphore_mem>>
    %dma_start3A_167 = tpu.memref_squeeze %dma_start3A_166 : memref<1x!tpu.dma_semaphore, #tpu.memory_space<semaphore_mem>> -> memref<!tpu.dma_semaphore, #tpu.memory_space<semaphore_mem>>
    %dma_start3A_168 = arith.constant 0 : i32
    %dma_start3A_169 = arith.constant 0 : i32
    %dma_start3A_170 = arith.constant 0 : i32
    %dma_start3A_171 = tpu.memref_slice %arg5[%dma_start3A_156, %dma_start3A_168, %dma_start3A_169, %dma_start3A_170] : memref<6x4x4x1024xf32, #tpu.memory_space<vmem>> -> memref<1x4x4x1024xf32, #tpu.memory_space<vmem>>
    %dma_start3A_172 = tpu.memref_squeeze %dma_start3A_171 : memref<1x4x4x1024xf32, #tpu.memory_space<vmem>> -> memref<4x4x1024xf32, #tpu.memory_space<vmem>>
    %dma_start3A_173 = arith.constant 0 : i32
    %dma_start3A_174 = arith.constant 0 : i32
    %dma_start3A_175 = tpu.memref_slice %arg2[%add3A_155, %dma_start3A_173, %dma_start3A_174] : memref<8192x4x1024xf32, #tpu.memory_space<hbm>> -> memref<4x4x1024xf32, #tpu.memory_space<hbm>>
    tpu.enqueue_dma source(%dma_start3A_175 : memref<4x4x1024xf32, #tpu.memory_space<hbm>>) target(%dma_start3A_172 : memref<4x4x1024xf32, #tpu.memory_space<vmem>>) target_semaphore(%dma_start3A_167 : memref<!tpu.dma_semaphore, #tpu.memory_space<semaphore_mem>>)
    %dma_start3A_176 = arith.constant 4 : i32
    %dma_start3A_177 = arith.constant 4 : i32
    %dma_start3A_178 = arith.constant 0 : i32
    %dma_start3A_179 = arith.constant 0 : i32
    %dma_start3A_180 = tpu.memref_slice %arg6[%dma_start3A_176, %dma_start3A_178, %dma_start3A_179] : memref<6x4x1024xf32, #tpu.memory_space<vmem>> -> memref<1x4x1024xf32, #tpu.memory_space<vmem>>
    %dma_start3A_181 = tpu.memref_squeeze %dma_start3A_180 : memref<1x4x1024xf32, #tpu.memory_space<vmem>> -> memref<4x1024xf32, #tpu.memory_space<vmem>>
    %dma_start3A_182 = arith.constant 0 : i32
    %dma_start3A_183 = tpu.memref_slice %arg3[%add3A_155, %dma_start3A_182] : memref<8192x1024xf32, #tpu.memory_space<hbm>> -> memref<4x1024xf32, #tpu.memory_space<hbm>>
    %dma_start3A_184 = tpu.memref_slice %arg8[%dma_start3A_177] : memref<6x!tpu.dma_semaphore, #tpu.memory_space<semaphore_mem>> -> memref<1x!tpu.dma_semaphore, #tpu.memory_space<semaphore_mem>>
    %dma_start3A_185 = tpu.memref_squeeze %dma_start3A_184 : memref<1x!tpu.dma_semaphore, #tpu.memory_space<semaphore_mem>> -> memref<!tpu.dma_semaphore, #tpu.memory_space<semaphore_mem>>
    %dma_start3A_186 = arith.constant 0 : i32
    %dma_start3A_187 = arith.constant 0 : i32
    %dma_start3A_188 = tpu.memref_slice %arg6[%dma_start3A_176, %dma_start3A_186, %dma_start3A_187] : memref<6x4x1024xf32, #tpu.memory_space<vmem>> -> memref<1x4x1024xf32, #tpu.memory_space<vmem>>
    %dma_start3A_189 = tpu.memref_squeeze %dma_start3A_188 : memref<1x4x1024xf32, #tpu.memory_space<vmem>> -> memref<4x1024xf32, #tpu.memory_space<vmem>>
    %dma_start3A_190 = arith.constant 0 : i32
    %dma_start3A_191 = tpu.memref_slice %arg3[%add3A_155, %dma_start3A_190] : memref<8192x1024xf32, #tpu.memory_space<hbm>> -> memref<4x1024xf32, #tpu.memory_space<hbm>>
    tpu.enqueue_dma source(%dma_start3A_191 : memref<4x1024xf32, #tpu.memory_space<hbm>>) target(%dma_start3A_189 : memref<4x1024xf32, #tpu.memory_space<vmem>>) target_semaphore(%dma_start3A_185 : memref<!tpu.dma_semaphore, #tpu.memory_space<semaphore_mem>>)
    %scan3A = arith.constant 0 : i32
    %scan3A_192 = arith.constant 0 : i32
    %scan3A_193 = arith.constant 64 : i32
    %scan3A_194 = arith.addi %scan3A_192, %scan3A_193 : i32
    %scan3A_195 = arith.constant 1 : i32
    scf.for %scan3A_328 = %scan3A_192 to %scan3A_194 step %scan3A_195  : i32 {
      %rem3A = arith.constant 6 : i32
      %rem3A_329 = arith.remsi %scan3A_328, %rem3A : i32
      %add3A_330 = arith.constant 5 : i32
      %add3A_331 = arith.addi %scan3A_328, %add3A_330 : i32
      %rem3A_332 = arith.constant 6 : i32
      %rem3A_333 = arith.remsi %add3A_331, %rem3A_332 : i32
      %dma_wait3A_334 = arith.constant 0 : i32
      %dma_wait3A_335 = arith.constant 0 : i32
      %dma_wait3A_336 = arith.constant 0 : i32
      %dma_wait3A_337 = tpu.memref_slice %arg5[%rem3A_329, %dma_wait3A_334, %dma_wait3A_335, %dma_wait3A_336] : memref<6x4x4x1024xf32, #tpu.memory_space<vmem>> -> memref<1x4x4x1024xf32, #tpu.memory_space<vmem>>
      %dma_wait3A_338 = tpu.memref_squeeze %dma_wait3A_337 : memref<1x4x4x1024xf32, #tpu.memory_space<vmem>> -> memref<4x4x1024xf32, #tpu.memory_space<vmem>>
      %dma_wait3A_339 = arith.constant 0 : i32
      %dma_wait3A_340 = arith.constant 0 : i32
      %dma_wait3A_341 = arith.constant 0 : i32
      %dma_wait3A_342 = tpu.memref_slice %arg2[%dma_wait3A_339, %dma_wait3A_340, %dma_wait3A_341] : memref<8192x4x1024xf32, #tpu.memory_space<hbm>> -> memref<4x4x1024xf32, #tpu.memory_space<hbm>>
      %dma_wait3A_343 = tpu.memref_slice %arg7[%rem3A_329] : memref<6x!tpu.dma_semaphore, #tpu.memory_space<semaphore_mem>> -> memref<1x!tpu.dma_semaphore, #tpu.memory_space<semaphore_mem>>
      %dma_wait3A_344 = tpu.memref_squeeze %dma_wait3A_343 : memref<1x!tpu.dma_semaphore, #tpu.memory_space<semaphore_mem>> -> memref<!tpu.dma_semaphore, #tpu.memory_space<semaphore_mem>>
      %dma_wait3A_345 = arith.constant 0 : i32
      %dma_wait3A_346 = arith.constant 0 : i32
      %dma_wait3A_347 = arith.constant 0 : i32
      %dma_wait3A_348 = tpu.memref_slice %arg5[%rem3A_329, %dma_wait3A_345, %dma_wait3A_346, %dma_wait3A_347] : memref<6x4x4x1024xf32, #tpu.memory_space<vmem>> -> memref<1x4x4x1024xf32, #tpu.memory_space<vmem>>
      %dma_wait3A_349 = tpu.memref_squeeze %dma_wait3A_348 : memref<1x4x4x1024xf32, #tpu.memory_space<vmem>> -> memref<4x4x1024xf32, #tpu.memory_space<vmem>>
      %dma_wait3A_350 = arith.constant 0 : i32
      %dma_wait3A_351 = arith.constant 0 : i32
      %dma_wait3A_352 = arith.constant 0 : i32
      %dma_wait3A_353 = tpu.memref_slice %arg2[%dma_wait3A_350, %dma_wait3A_351, %dma_wait3A_352] : memref<8192x4x1024xf32, #tpu.memory_space<hbm>> -> memref<4x4x1024xf32, #tpu.memory_space<hbm>>
      tpu.wait_dma2 semaphore(%dma_wait3A_344 : memref<!tpu.dma_semaphore, #tpu.memory_space<semaphore_mem>>) src(%dma_wait3A_353 : memref<4x4x1024xf32, #tpu.memory_space<hbm>>) dst(%dma_wait3A_349 : memref<4x4x1024xf32, #tpu.memory_space<vmem>>)
      %dma_wait3A_354 = arith.constant 0 : i32
      %dma_wait3A_355 = arith.constant 0 : i32
      %dma_wait3A_356 = tpu.memref_slice %arg6[%rem3A_329, %dma_wait3A_354, %dma_wait3A_355] : memref<6x4x1024xf32, #tpu.memory_space<vmem>> -> memref<1x4x1024xf32, #tpu.memory_space<vmem>>
      %dma_wait3A_357 = tpu.memref_squeeze %dma_wait3A_356 : memref<1x4x1024xf32, #tpu.memory_space<vmem>> -> memref<4x1024xf32, #tpu.memory_space<vmem>>
      %dma_wait3A_358 = arith.constant 0 : i32
      %dma_wait3A_359 = arith.constant 0 : i32
      %dma_wait3A_360 = tpu.memref_slice %arg3[%dma_wait3A_358, %dma_wait3A_359] : memref<8192x1024xf32, #tpu.memory_space<hbm>> -> memref<4x1024xf32, #tpu.memory_space<hbm>>
      %dma_wait3A_361 = tpu.memref_slice %arg8[%rem3A_329] : memref<6x!tpu.dma_semaphore, #tpu.memory_space<semaphore_mem>> -> memref<1x!tpu.dma_semaphore, #tpu.memory_space<semaphore_mem>>
      %dma_wait3A_362 = tpu.memref_squeeze %dma_wait3A_361 : memref<1x!tpu.dma_semaphore, #tpu.memory_space<semaphore_mem>> -> memref<!tpu.dma_semaphore, #tpu.memory_space<semaphore_mem>>
      %dma_wait3A_363 = arith.constant 0 : i32
      %dma_wait3A_364 = arith.constant 0 : i32
      %dma_wait3A_365 = tpu.memref_slice %arg6[%rem3A_329, %dma_wait3A_363, %dma_wait3A_364] : memref<6x4x1024xf32, #tpu.memory_space<vmem>> -> memref<1x4x1024xf32, #tpu.memory_space<vmem>>
      %dma_wait3A_366 = tpu.memref_squeeze %dma_wait3A_365 : memref<1x4x1024xf32, #tpu.memory_space<vmem>> -> memref<4x1024xf32, #tpu.memory_space<vmem>>
      %dma_wait3A_367 = arith.constant 0 : i32
      %dma_wait3A_368 = arith.constant 0 : i32
      %dma_wait3A_369 = tpu.memref_slice %arg3[%dma_wait3A_367, %dma_wait3A_368] : memref<8192x1024xf32, #tpu.memory_space<hbm>> -> memref<4x1024xf32, #tpu.memory_space<hbm>>
      tpu.wait_dma2 semaphore(%dma_wait3A_362 : memref<!tpu.dma_semaphore, #tpu.memory_space<semaphore_mem>>) src(%dma_wait3A_369 : memref<4x1024xf32, #tpu.memory_space<hbm>>) dst(%dma_wait3A_366 : memref<4x1024xf32, #tpu.memory_space<vmem>>)
      %parallel_loop3A = arith.constant 0 : i32
      %parallel_loop3A_370 = arith.constant 64 : i32
      %parallel_loop3A_371 = arith.constant 1 : i32
      scf.for %parallel_loop3A_405 = %parallel_loop3A to %parallel_loop3A_370 step %parallel_loop3A_371  : i32 {
        %parallel_loop3A_406 = arith.constant 16 : i32
        %parallel_loop3A_407 = arith.muli %parallel_loop3A_405, %parallel_loop3A_406 : i32
        %parallel_loop3A_408 = arith.constant 0 : i32
        %parallel_loop3A_409 = arith.constant 0 : i32
        %parallel_loop3A_410 = arith.constant 0 : i32
        %parallel_loop3A_411 = tpu.memref_slice %arg6[%rem3A_329, %parallel_loop3A_409, %parallel_loop3A_410] : memref<6x4x1024xf32, #tpu.memory_space<vmem>> -> memref<1x4x1024xf32, #tpu.memory_space<vmem>>
        %parallel_loop3A_412 = tpu.memref_squeeze %parallel_loop3A_411 : memref<1x4x1024xf32, #tpu.memory_space<vmem>> -> memref<4x1024xf32, #tpu.memory_space<vmem>>
        %parallel_loop3A_413 = arith.index_cast %parallel_loop3A_408 : i32 to index
        %parallel_loop3A_414 = arith.index_cast %parallel_loop3A_407 : i32 to index
        %parallel_loop3A_415 = tpu.vector_load %parallel_loop3A_412[%parallel_loop3A_413, %parallel_loop3A_414] {strides = array<i32>} : memref<4x1024xf32, #tpu.memory_space<vmem>>, vector<1x16xf32>,
        %parallel_loop3A_416 = vector.shape_cast %parallel_loop3A_415 : vector<1x16xf32> to vector<16xf32>
        %parallel_loop3A_417 = arith.constant 0 : i32
        %parallel_loop3A_418 = arith.constant 0 : i32
        %parallel_loop3A_419 = arith.constant 0 : i32
        %parallel_loop3A_420 = arith.constant 0 : i32
        %parallel_loop3A_421 = arith.constant 0 : i32
        %parallel_loop3A_422 = tpu.memref_slice %arg5[%rem3A_329, %parallel_loop3A_419, %parallel_loop3A_420, %parallel_loop3A_421] : memref<6x4x4x1024xf32, #tpu.memory_space<vmem>> -> memref<1x4x4x1024xf32, #tpu.memory_space<vmem>>
        %parallel_loop3A_423 = tpu.memref_squeeze %parallel_loop3A_422 : memref<1x4x4x1024xf32, #tpu.memory_space<vmem>> -> memref<4x4x1024xf32, #tpu.memory_space<vmem>>
        %parallel_loop3A_424 = arith.index_cast %parallel_loop3A_417 : i32 to index
        %parallel_loop3A_425 = arith.index_cast %parallel_loop3A_418 : i32 to index
        %parallel_loop3A_426 = arith.index_cast %parallel_loop3A_407 : i32 to index
        %parallel_loop3A_427 = tpu.vector_load %parallel_loop3A_423[%parallel_loop3A_424, %parallel_loop3A_425, %parallel_loop3A_426] {strides = array<i32>} : memref<4x4x1024xf32, #tpu.memory_space<vmem>>, vector<1x1x16xf32>,
        %parallel_loop3A_428 = vector.shape_cast %parallel_loop3A_427 : vector<1x1x16xf32> to vector<16xf32>
        %parallel_loop3A_429 = arith.addf %parallel_loop3A_428, %parallel_loop3A_416 : vector<16xf32>
        %parallel_loop3A_430 = arith.constant 0 : i32
        %parallel_loop3A_431 = arith.constant 0 : i32
        %parallel_loop3A_432 = arith.constant 0 : i32
        %parallel_loop3A_433 = arith.constant 0 : i32
        %parallel_loop3A_434 = arith.constant 0 : i32
        %parallel_loop3A_435 = tpu.memref_slice %arg5[%rem3A_329, %parallel_loop3A_432, %parallel_loop3A_433, %parallel_loop3A_434] : memref<6x4x4x1024xf32, #tpu.memory_space<vmem>> -> memref<1x4x4x1024xf32, #tpu.memory_space<vmem>>
        %parallel_loop3A_436 = tpu.memref_squeeze %parallel_loop3A_435 : memref<1x4x4x1024xf32, #tpu.memory_space<vmem>> -> memref<4x4x1024xf32, #tpu.memory_space<vmem>>
        %parallel_loop3A_437 = arith.index_cast %parallel_loop3A_430 : i32 to index
        %parallel_loop3A_438 = arith.index_cast %parallel_loop3A_431 : i32 to index
        %parallel_loop3A_439 = arith.index_cast %parallel_loop3A_407 : i32 to index
        %parallel_loop3A_440 = tpu.vector_load %parallel_loop3A_436[%parallel_loop3A_437, %parallel_loop3A_438, %parallel_loop3A_439] {strides = array<i32>} : memref<4x4x1024xf32, #tpu.memory_space<vmem>>, vector<1x1x16xf32>,
        %parallel_loop3A_441 = vector.shape_cast %parallel_loop3A_440 : vector<1x1x16xf32> to vector<16xf32>
        %parallel_loop3A_442 = vector.shape_cast %parallel_loop3A_429 : vector<16xf32> to vector<1x1x16xf32>
        tpu.vector_store %parallel_loop3A_436[%parallel_loop3A_437, %parallel_loop3A_438, %parallel_loop3A_439], %parallel_loop3A_442 {strides = array<i32>} : memref<4x4x1024xf32, #tpu.memory_space<vmem>>, vector<1x1x16xf32>,
        %parallel_loop3A_443 = arith.constant 0 : i32
        %parallel_loop3A_444 = arith.constant 1 : i32
        %parallel_loop3A_445 = arith.constant 0 : i32
        %parallel_loop3A_446 = arith.constant 0 : i32
        %parallel_loop3A_447 = arith.constant 0 : i32
        %parallel_loop3A_448 = tpu.memref_slice %arg5[%rem3A_329, %parallel_loop3A_445, %parallel_loop3A_446, %parallel_loop3A_447] : memref<6x4x4x1024xf32, #tpu.memory_space<vmem>> -> memref<1x4x4x1024xf32, #tpu.memory_space<vmem>>
        %parallel_loop3A_449 = tpu.memref_squeeze %parallel_loop3A_448 : memref<1x4x4x1024xf32, #tpu.memory_space<vmem>> -> memref<4x4x1024xf32, #tpu.memory_space<vmem>>
        %parallel_loop3A_450 = arith.index_cast %parallel_loop3A_443 : i32 to index
        %parallel_loop3A_451 = arith.index_cast %parallel_loop3A_444 : i32 to index
        %parallel_loop3A_452 = arith.index_cast %parallel_loop3A_407 : i32 to index
        %parallel_loop3A_453 = tpu.vector_load %parallel_loop3A_449[%parallel_loop3A_450, %parallel_loop3A_451, %parallel_loop3A_452] {strides = array<i32>} : memref<4x4x1024xf32, #tpu.memory_space<vmem>>, vector<1x1x16xf32>,
        %parallel_loop3A_454 = vector.shape_cast %parallel_loop3A_453 : vector<1x1x16xf32> to vector<16xf32>
        %parallel_loop3A_455 = arith.addf %parallel_loop3A_454, %parallel_loop3A_416 : vector<16xf32>
        %parallel_loop3A_456 = arith.constant 0 : i32
        %parallel_loop3A_457 = arith.constant 1 : i32
        %parallel_loop3A_458 = arith.constant 0 : i32
        %parallel_loop3A_459 = arith.constant 0 : i32
        %parallel_loop3A_460 = arith.constant 0 : i32
        %parallel_loop3A_461 = tpu.memref_slice %arg5[%rem3A_329, %parallel_loop3A_458, %parallel_loop3A_459, %parallel_loop3A_460] : memref<6x4x4x1024xf32, #tpu.memory_space<vmem>> -> memref<1x4x4x1024xf32, #tpu.memory_space<vmem>>
        %parallel_loop3A_462 = tpu.memref_squeeze %parallel_loop3A_461 : memref<1x4x4x1024xf32, #tpu.memory_space<vmem>> -> memref<4x4x1024xf32, #tpu.memory_space<vmem>>
        %parallel_loop3A_463 = arith.index_cast %parallel_loop3A_456 : i32 to index
        %parallel_loop3A_464 = arith.index_cast %parallel_loop3A_457 : i32 to index
        %parallel_loop3A_465 = arith.index_cast %parallel_loop3A_407 : i32 to index
        %parallel_loop3A_466 = tpu.vector_load %parallel_loop3A_462[%parallel_loop3A_463, %parallel_loop3A_464, %parallel_loop3A_465] {strides = array<i32>} : memref<4x4x1024xf32, #tpu.memory_space<vmem>>, vector<1x1x16xf32>,
        %parallel_loop3A_467 = vector.shape_cast %parallel_loop3A_466 : vector<1x1x16xf32> to vector<16xf32>
        %parallel_loop3A_468 = vector.shape_cast %parallel_loop3A_455 : vector<16xf32> to vector<1x1x16xf32>
        tpu.vector_store %parallel_loop3A_462[%parallel_loop3A_463, %parallel_loop3A_464, %parallel_loop3A_465], %parallel_loop3A_468 {strides = array<i32>} : memref<4x4x1024xf32, #tpu.memory_space<vmem>>, vector<1x1x16xf32>,
        %parallel_loop3A_469 = arith.constant 0 : i32
        %parallel_loop3A_470 = arith.constant 2 : i32
        %parallel_loop3A_471 = arith.constant 0 : i32
        %parallel_loop3A_472 = arith.constant 0 : i32
        %parallel_loop3A_473 = arith.constant 0 : i32
        %parallel_loop3A_474 = tpu.memref_slice %arg5[%rem3A_329, %parallel_loop3A_471, %parallel_loop3A_472, %parallel_loop3A_473] : memref<6x4x4x1024xf32, #tpu.memory_space<vmem>> -> memref<1x4x4x1024xf32, #tpu.memory_space<vmem>>
        %parallel_loop3A_475 = tpu.memref_squeeze %parallel_loop3A_474 : memref<1x4x4x1024xf32, #tpu.memory_space<vmem>> -> memref<4x4x1024xf32, #tpu.memory_space<vmem>>
        %parallel_loop3A_476 = arith.index_cast %parallel_loop3A_469 : i32 to index
        %parallel_loop3A_477 = arith.index_cast %parallel_loop3A_470 : i32 to index
        %parallel_loop3A_478 = arith.index_cast %parallel_loop3A_407 : i32 to index
        %parallel_loop3A_479 = tpu.vector_load %parallel_loop3A_475[%parallel_loop3A_476, %parallel_loop3A_477, %parallel_loop3A_478] {strides = array<i32>} : memref<4x4x1024xf32, #tpu.memory_space<vmem>>, vector<1x1x16xf32>,
        %parallel_loop3A_480 = vector.shape_cast %parallel_loop3A_479 : vector<1x1x16xf32> to vector<16xf32>
        %parallel_loop3A_481 = arith.addf %parallel_loop3A_480, %parallel_loop3A_416 : vector<16xf32>
        %parallel_loop3A_482 = arith.constant 0 : i32
        %parallel_loop3A_483 = arith.constant 2 : i32
        %parallel_loop3A_484 = arith.constant 0 : i32
        %parallel_loop3A_485 = arith.constant 0 : i32
        %parallel_loop3A_486 = arith.constant 0 : i32
        %parallel_loop3A_487 = tpu.memref_slice %arg5[%rem3A_329, %parallel_loop3A_484, %parallel_loop3A_485, %parallel_loop3A_486] : memref<6x4x4x1024xf32, #tpu.memory_space<vmem>> -> memref<1x4x4x1024xf32, #tpu.memory_space<vmem>>
        %parallel_loop3A_488 = tpu.memref_squeeze %parallel_loop3A_487 : memref<1x4x4x1024xf32, #tpu.memory_space<vmem>> -> memref<4x4x1024xf32, #tpu.memory_space<vmem>>
        %parallel_loop3A_489 = arith.index_cast %parallel_loop3A_482 : i32 to index
        %parallel_loop3A_490 = arith.index_cast %parallel_loop3A_483 : i32 to index
        %parallel_loop3A_491 = arith.index_cast %parallel_loop3A_407 : i32 to index
        %parallel_loop3A_492 = tpu.vector_load %parallel_loop3A_488[%parallel_loop3A_489, %parallel_loop3A_490, %parallel_loop3A_491] {strides = array<i32>} : memref<4x4x1024xf32, #tpu.memory_space<vmem>>, vector<1x1x16xf32>,
        %parallel_loop3A_493 = vector.shape_cast %parallel_loop3A_492 : vector<1x1x16xf32> to vector<16xf32>
        %parallel_loop3A_494 = vector.shape_cast %parallel_loop3A_481 : vector<16xf32> to vector<1x1x16xf32>
        tpu.vector_store %parallel_loop3A_488[%parallel_loop3A_489, %parallel_loop3A_490, %parallel_loop3A_491], %parallel_loop3A_494 {strides = array<i32>} : memref<4x4x1024xf32, #tpu.memory_space<vmem>>, vector<1x1x16xf32>,
        %parallel_loop3A_495 = arith.constant 0 : i32
        %parallel_loop3A_496 = arith.constant 3 : i32
        %parallel_loop3A_497 = arith.constant 0 : i32
        %parallel_loop3A_498 = arith.constant 0 : i32
        %parallel_loop3A_499 = arith.constant 0 : i32
        %parallel_loop3A_500 = tpu.memref_slice %arg5[%rem3A_329, %parallel_loop3A_497, %parallel_loop3A_498, %parallel_loop3A_499] : memref<6x4x4x1024xf32, #tpu.memory_space<vmem>> -> memref<1x4x4x1024xf32, #tpu.memory_space<vmem>>
        %parallel_loop3A_501 = tpu.memref_squeeze %parallel_loop3A_500 : memref<1x4x4x1024xf32, #tpu.memory_space<vmem>> -> memref<4x4x1024xf32, #tpu.memory_space<vmem>>
        %parallel_loop3A_502 = arith.index_cast %parallel_loop3A_495 : i32 to index
        %parallel_loop3A_503 = arith.index_cast %parallel_loop3A_496 : i32 to index
        %parallel_loop3A_504 = arith.index_cast %parallel_loop3A_407 : i32 to index
        %parallel_loop3A_505 = tpu.vector_load %parallel_loop3A_501[%parallel_loop3A_502, %parallel_loop3A_503, %parallel_loop3A_504] {strides = array<i32>} : memref<4x4x1024xf32, #tpu.memory_space<vmem>>, vector<1x1x16xf32>,
        %parallel_loop3A_506 = vector.shape_cast %parallel_loop3A_505 : vector<1x1x16xf32> to vector<16xf32>
        %parallel_loop3A_507 = arith.addf %parallel_loop3A_506, %parallel_loop3A_416 : vector<16xf32>
        %parallel_loop3A_508 = arith.constant 0 : i32
        %parallel_loop3A_509 = arith.constant 3 : i32
        %parallel_loop3A_510 = arith.constant 0 : i32
        %parallel_loop3A_511 = arith.constant 0 : i32
        %parallel_loop3A_512 = arith.constant 0 : i32
        %parallel_loop3A_513 = tpu.memref_slice %arg5[%rem3A_329, %parallel_loop3A_510, %parallel_loop3A_511, %parallel_loop3A_512] : memref<6x4x4x1024xf32, #tpu.memory_space<vmem>> -> memref<1x4x4x1024xf32, #tpu.memory_space<vmem>>
        %parallel_loop3A_514 = tpu.memref_squeeze %parallel_loop3A_513 : memref<1x4x4x1024xf32, #tpu.memory_space<vmem>> -> memref<4x4x1024xf32, #tpu.memory_space<vmem>>
        %parallel_loop3A_515 = arith.index_cast %parallel_loop3A_508 : i32 to index
        %parallel_loop3A_516 = arith.index_cast %parallel_loop3A_509 : i32 to index
        %parallel_loop3A_517 = arith.index_cast %parallel_loop3A_407 : i32 to index
        %parallel_loop3A_518 = tpu.vector_load %parallel_loop3A_514[%parallel_loop3A_515, %parallel_loop3A_516, %parallel_loop3A_517] {strides = array<i32>} : memref<4x4x1024xf32, #tpu.memory_space<vmem>>, vector<1x1x16xf32>,
        %parallel_loop3A_519 = vector.shape_cast %parallel_loop3A_518 : vector<1x1x16xf32> to vector<16xf32>
        %parallel_loop3A_520 = vector.shape_cast %parallel_loop3A_507 : vector<16xf32> to vector<1x1x16xf32>
        tpu.vector_store %parallel_loop3A_514[%parallel_loop3A_515, %parallel_loop3A_516, %parallel_loop3A_517], %parallel_loop3A_520 {strides = array<i32>} : memref<4x4x1024xf32, #tpu.memory_space<vmem>>, vector<1x1x16xf32>,
        %parallel_loop3A_521 = arith.constant 1 : i32
        %parallel_loop3A_522 = arith.constant 0 : i32
        %parallel_loop3A_523 = arith.constant 0 : i32
        %parallel_loop3A_524 = tpu.memref_slice %arg6[%rem3A_329, %parallel_loop3A_522, %parallel_loop3A_523] : memref<6x4x1024xf32, #tpu.memory_space<vmem>> -> memref<1x4x1024xf32, #tpu.memory_space<vmem>>
        %parallel_loop3A_525 = tpu.memref_squeeze %parallel_loop3A_524 : memref<1x4x1024xf32, #tpu.memory_space<vmem>> -> memref<4x1024xf32, #tpu.memory_space<vmem>>
        %parallel_loop3A_526 = arith.index_cast %parallel_loop3A_521 : i32 to index
        %parallel_loop3A_527 = arith.index_cast %parallel_loop3A_407 : i32 to index
        %parallel_loop3A_528 = tpu.vector_load %parallel_loop3A_525[%parallel_loop3A_526, %parallel_loop3A_527] {strides = array<i32>} : memref<4x1024xf32, #tpu.memory_space<vmem>>, vector<1x16xf32>,
        %parallel_loop3A_529 = vector.shape_cast %parallel_loop3A_528 : vector<1x16xf32> to vector<16xf32>
        %parallel_loop3A_530 = arith.constant 1 : i32
        %parallel_loop3A_531 = arith.constant 0 : i32
        %parallel_loop3A_532 = arith.constant 0 : i32
        %parallel_loop3A_533 = arith.constant 0 : i32
        %parallel_loop3A_534 = arith.constant 0 : i32
        %parallel_loop3A_535 = tpu.memref_slice %arg5[%rem3A_329, %parallel_loop3A_532, %parallel_loop3A_533, %parallel_loop3A_534] : memref<6x4x4x1024xf32, #tpu.memory_space<vmem>> -> memref<1x4x4x1024xf32, #tpu.memory_space<vmem>>
        %parallel_loop3A_536 = tpu.memref_squeeze %parallel_loop3A_535 : memref<1x4x4x1024xf32, #tpu.memory_space<vmem>> -> memref<4x4x1024xf32, #tpu.memory_space<vmem>>
        %parallel_loop3A_537 = arith.index_cast %parallel_loop3A_530 : i32 to index
        %parallel_loop3A_538 = arith.index_cast %parallel_loop3A_531 : i32 to index
        %parallel_loop3A_539 = arith.index_cast %parallel_loop3A_407 : i32 to index
        %parallel_loop3A_540 = tpu.vector_load %parallel_loop3A_536[%parallel_loop3A_537, %parallel_loop3A_538, %parallel_loop3A_539] {strides = array<i32>} : memref<4x4x1024xf32, #tpu.memory_space<vmem>>, vector<1x1x16xf32>,
        %parallel_loop3A_541 = vector.shape_cast %parallel_loop3A_540 : vector<1x1x16xf32> to vector<16xf32>
        %parallel_loop3A_542 = arith.addf %parallel_loop3A_541, %parallel_loop3A_529 : vector<16xf32>
        %parallel_loop3A_543 = arith.constant 1 : i32
        %parallel_loop3A_544 = arith.constant 0 : i32
        %parallel_loop3A_545 = arith.constant 0 : i32
        %parallel_loop3A_546 = arith.constant 0 : i32
        %parallel_loop3A_547 = arith.constant 0 : i32
        %parallel_loop3A_548 = tpu.memref_slice %arg5[%rem3A_329, %parallel_loop3A_545, %parallel_loop3A_546, %parallel_loop3A_547] : memref<6x4x4x1024xf32, #tpu.memory_space<vmem>> -> memref<1x4x4x1024xf32, #tpu.memory_space<vmem>>
        %parallel_loop3A_549 = tpu.memref_squeeze %parallel_loop3A_548 : memref<1x4x4x1024xf32, #tpu.memory_space<vmem>> -> memref<4x4x1024xf32, #tpu.memory_space<vmem>>
        %parallel_loop3A_550 = arith.index_cast %parallel_loop3A_543 : i32 to index
        %parallel_loop3A_551 = arith.index_cast %parallel_loop3A_544 : i32 to index
        %parallel_loop3A_552 = arith.index_cast %parallel_loop3A_407 : i32 to index
        %parallel_loop3A_553 = tpu.vector_load %parallel_loop3A_549[%parallel_loop3A_550, %parallel_loop3A_551, %parallel_loop3A_552] {strides = array<i32>} : memref<4x4x1024xf32, #tpu.memory_space<vmem>>, vector<1x1x16xf32>,
        %parallel_loop3A_554 = vector.shape_cast %parallel_loop3A_553 : vector<1x1x16xf32> to vector<16xf32>
        %parallel_loop3A_555 = vector.shape_cast %parallel_loop3A_542 : vector<16xf32> to vector<1x1x16xf32>
        tpu.vector_store %parallel_loop3A_549[%parallel_loop3A_550, %parallel_loop3A_551, %parallel_loop3A_552], %parallel_loop3A_555 {strides = array<i32>} : memref<4x4x1024xf32, #tpu.memory_space<vmem>>, vector<1x1x16xf32>,
        %parallel_loop3A_556 = arith.constant 1 : i32
        %parallel_loop3A_557 = arith.constant 1 : i32
        %parallel_loop3A_558 = arith.constant 0 : i32
        %parallel_loop3A_559 = arith.constant 0 : i32
        %parallel_loop3A_560 = arith.constant 0 : i32
        %parallel_loop3A_561 = tpu.memref_slice %arg5[%rem3A_329, %parallel_loop3A_558, %parallel_loop3A_559, %parallel_loop3A_560] : memref<6x4x4x1024xf32, #tpu.memory_space<vmem>> -> memref<1x4x4x1024xf32, #tpu.memory_space<vmem>>
        %parallel_loop3A_562 = tpu.memref_squeeze %parallel_loop3A_561 : memref<1x4x4x1024xf32, #tpu.memory_space<vmem>> -> memref<4x4x1024xf32, #tpu.memory_space<vmem>>
        %parallel_loop3A_563 = arith.index_cast %parallel_loop3A_556 : i32 to index
        %parallel_loop3A_564 = arith.index_cast %parallel_loop3A_557 : i32 to index
        %parallel_loop3A_565 = arith.index_cast %parallel_loop3A_407 : i32 to index
        %parallel_loop3A_566 = tpu.vector_load %parallel_loop3A_562[%parallel_loop3A_563, %parallel_loop3A_564, %parallel_loop3A_565] {strides = array<i32>} : memref<4x4x1024xf32, #tpu.memory_space<vmem>>, vector<1x1x16xf32>,
        %parallel_loop3A_567 = vector.shape_cast %parallel_loop3A_566 : vector<1x1x16xf32> to vector<16xf32>
        %parallel_loop3A_568 = arith.addf %parallel_loop3A_567, %parallel_loop3A_529 : vector<16xf32>
        %parallel_loop3A_569 = arith.constant 1 : i32
        %parallel_loop3A_570 = arith.constant 1 : i32
        %parallel_loop3A_571 = arith.constant 0 : i32
        %parallel_loop3A_572 = arith.constant 0 : i32
        %parallel_loop3A_573 = arith.constant 0 : i32
        %parallel_loop3A_574 = tpu.memref_slice %arg5[%rem3A_329, %parallel_loop3A_571, %parallel_loop3A_572, %parallel_loop3A_573] : memref<6x4x4x1024xf32, #tpu.memory_space<vmem>> -> memref<1x4x4x1024xf32, #tpu.memory_space<vmem>>
        %parallel_loop3A_575 = tpu.memref_squeeze %parallel_loop3A_574 : memref<1x4x4x1024xf32, #tpu.memory_space<vmem>> -> memref<4x4x1024xf32, #tpu.memory_space<vmem>>
        %parallel_loop3A_576 = arith.index_cast %parallel_loop3A_569 : i32 to index
        %parallel_loop3A_577 = arith.index_cast %parallel_loop3A_570 : i32 to index
        %parallel_loop3A_578 = arith.index_cast %parallel_loop3A_407 : i32 to index
        %parallel_loop3A_579 = tpu.vector_load %parallel_loop3A_575[%parallel_loop3A_576, %parallel_loop3A_577, %parallel_loop3A_578] {strides = array<i32>} : memref<4x4x1024xf32, #tpu.memory_space<vmem>>, vector<1x1x16xf32>,
        %parallel_loop3A_580 = vector.shape_cast %parallel_loop3A_579 : vector<1x1x16xf32> to vector<16xf32>
        %parallel_loop3A_581 = vector.shape_cast %parallel_loop3A_568 : vector<16xf32> to vector<1x1x16xf32>
        tpu.vector_store %parallel_loop3A_575[%parallel_loop3A_576, %parallel_loop3A_577, %parallel_loop3A_578], %parallel_loop3A_581 {strides = array<i32>} : memref<4x4x1024xf32, #tpu.memory_space<vmem>>, vector<1x1x16xf32>,
        %parallel_loop3A_582 = arith.constant 1 : i32
        %parallel_loop3A_583 = arith.constant 2 : i32
        %parallel_loop3A_584 = arith.constant 0 : i32
        %parallel_loop3A_585 = arith.constant 0 : i32
        %parallel_loop3A_586 = arith.constant 0 : i32
        %parallel_loop3A_587 = tpu.memref_slice %arg5[%rem3A_329, %parallel_loop3A_584, %parallel_loop3A_585, %parallel_loop3A_586] : memref<6x4x4x1024xf32, #tpu.memory_space<vmem>> -> memref<1x4x4x1024xf32, #tpu.memory_space<vmem>>
        %parallel_loop3A_588 = tpu.memref_squeeze %parallel_loop3A_587 : memref<1x4x4x1024xf32, #tpu.memory_space<vmem>> -> memref<4x4x1024xf32, #tpu.memory_space<vmem>>
        %parallel_loop3A_589 = arith.index_cast %parallel_loop3A_582 : i32 to index
        %parallel_loop3A_590 = arith.index_cast %parallel_loop3A_583 : i32 to index
        %parallel_loop3A_591 = arith.index_cast %parallel_loop3A_407 : i32 to index
        %parallel_loop3A_592 = tpu.vector_load %parallel_loop3A_588[%parallel_loop3A_589, %parallel_loop3A_590, %parallel_loop3A_591] {strides = array<i32>} : memref<4x4x1024xf32, #tpu.memory_space<vmem>>, vector<1x1x16xf32>,
        %parallel_loop3A_593 = vector.shape_cast %parallel_loop3A_592 : vector<1x1x16xf32> to vector<16xf32>
        %parallel_loop3A_594 = arith.addf %parallel_loop3A_593, %parallel_loop3A_529 : vector<16xf32>
        %parallel_loop3A_595 = arith.constant 1 : i32
        %parallel_loop3A_596 = arith.constant 2 : i32
        %parallel_loop3A_597 = arith.constant 0 : i32
        %parallel_loop3A_598 = arith.constant 0 : i32
        %parallel_loop3A_599 = arith.constant 0 : i32
        %parallel_loop3A_600 = tpu.memref_slice %arg5[%rem3A_329, %parallel_loop3A_597, %parallel_loop3A_598, %parallel_loop3A_599] : memref<6x4x4x1024xf32, #tpu.memory_space<vmem>> -> memref<1x4x4x1024xf32, #tpu.memory_space<vmem>>
        %parallel_loop3A_601 = tpu.memref_squeeze %parallel_loop3A_600 : memref<1x4x4x1024xf32, #tpu.memory_space<vmem>> -> memref<4x4x1024xf32, #tpu.memory_space<vmem>>
        %parallel_loop3A_602 = arith.index_cast %parallel_loop3A_595 : i32 to index
        %parallel_loop3A_603 = arith.index_cast %parallel_loop3A_596 : i32 to index
        %parallel_loop3A_604 = arith.index_cast %parallel_loop3A_407 : i32 to index
        %parallel_loop3A_605 = tpu.vector_load %parallel_loop3A_601[%parallel_loop3A_602, %parallel_loop3A_603, %parallel_loop3A_604] {strides = array<i32>} : memref<4x4x1024xf32, #tpu.memory_space<vmem>>, vector<1x1x16xf32>,
        %parallel_loop3A_606 = vector.shape_cast %parallel_loop3A_605 : vector<1x1x16xf32> to vector<16xf32>
        %parallel_loop3A_607 = vector.shape_cast %parallel_loop3A_594 : vector<16xf32> to vector<1x1x16xf32>
        tpu.vector_store %parallel_loop3A_601[%parallel_loop3A_602, %parallel_loop3A_603, %parallel_loop3A_604], %parallel_loop3A_607 {strides = array<i32>} : memref<4x4x1024xf32, #tpu.memory_space<vmem>>, vector<1x1x16xf32>,
        %parallel_loop3A_608 = arith.constant 1 : i32
        %parallel_loop3A_609 = arith.constant 3 : i32
        %parallel_loop3A_610 = arith.constant 0 : i32
        %parallel_loop3A_611 = arith.constant 0 : i32
        %parallel_loop3A_612 = arith.constant 0 : i32
        %parallel_loop3A_613 = tpu.memref_slice %arg5[%rem3A_329, %parallel_loop3A_610, %parallel_loop3A_611, %parallel_loop3A_612] : memref<6x4x4x1024xf32, #tpu.memory_space<vmem>> -> memref<1x4x4x1024xf32, #tpu.memory_space<vmem>>
        %parallel_loop3A_614 = tpu.memref_squeeze %parallel_loop3A_613 : memref<1x4x4x1024xf32, #tpu.memory_space<vmem>> -> memref<4x4x1024xf32, #tpu.memory_space<vmem>>
        %parallel_loop3A_615 = arith.index_cast %parallel_loop3A_608 : i32 to index
        %parallel_loop3A_616 = arith.index_cast %parallel_loop3A_609 : i32 to index
        %parallel_loop3A_617 = arith.index_cast %parallel_loop3A_407 : i32 to index
        %parallel_loop3A_618 = tpu.vector_load %parallel_loop3A_614[%parallel_loop3A_615, %parallel_loop3A_616, %parallel_loop3A_617] {strides = array<i32>} : memref<4x4x1024xf32, #tpu.memory_space<vmem>>, vector<1x1x16xf32>,
        %parallel_loop3A_619 = vector.shape_cast %parallel_loop3A_618 : vector<1x1x16xf32> to vector<16xf32>
        %parallel_loop3A_620 = arith.addf %parallel_loop3A_619, %parallel_loop3A_529 : vector<16xf32>
        %parallel_loop3A_621 = arith.constant 1 : i32
        %parallel_loop3A_622 = arith.constant 3 : i32
        %parallel_loop3A_623 = arith.constant 0 : i32
        %parallel_loop3A_624 = arith.constant 0 : i32
        %parallel_loop3A_625 = arith.constant 0 : i32
        %parallel_loop3A_626 = tpu.memref_slice %arg5[%rem3A_329, %parallel_loop3A_623, %parallel_loop3A_624, %parallel_loop3A_625] : memref<6x4x4x1024xf32, #tpu.memory_space<vmem>> -> memref<1x4x4x1024xf32, #tpu.memory_space<vmem>>
        %parallel_loop3A_627 = tpu.memref_squeeze %parallel_loop3A_626 : memref<1x4x4x1024xf32, #tpu.memory_space<vmem>> -> memref<4x4x1024xf32, #tpu.memory_space<vmem>>
        %parallel_loop3A_628 = arith.index_cast %parallel_loop3A_621 : i32 to index
        %parallel_loop3A_629 = arith.index_cast %parallel_loop3A_622 : i32 to index
        %parallel_loop3A_630 = arith.index_cast %parallel_loop3A_407 : i32 to index
        %parallel_loop3A_631 = tpu.vector_load %parallel_loop3A_627[%parallel_loop3A_628, %parallel_loop3A_629, %parallel_loop3A_630] {strides = array<i32>} : memref<4x4x1024xf32, #tpu.memory_space<vmem>>, vector<1x1x16xf32>,
        %parallel_loop3A_632 = vector.shape_cast %parallel_loop3A_631 : vector<1x1x16xf32> to vector<16xf32>
        %parallel_loop3A_633 = vector.shape_cast %parallel_loop3A_620 : vector<16xf32> to vector<1x1x16xf32>
        tpu.vector_store %parallel_loop3A_627[%parallel_loop3A_628, %parallel_loop3A_629, %parallel_loop3A_630], %parallel_loop3A_633 {strides = array<i32>} : memref<4x4x1024xf32, #tpu.memory_space<vmem>>, vector<1x1x16xf32>,
        %parallel_loop3A_634 = arith.constant 2 : i32
        %parallel_loop3A_635 = arith.constant 0 : i32
        %parallel_loop3A_636 = arith.constant 0 : i32
        %parallel_loop3A_637 = tpu.memref_slice %arg6[%rem3A_329, %parallel_loop3A_635, %parallel_loop3A_636] : memref<6x4x1024xf32, #tpu.memory_space<vmem>> -> memref<1x4x1024xf32, #tpu.memory_space<vmem>>
        %parallel_loop3A_638 = tpu.memref_squeeze %parallel_loop3A_637 : memref<1x4x1024xf32, #tpu.memory_space<vmem>> -> memref<4x1024xf32, #tpu.memory_space<vmem>>
        %parallel_loop3A_639 = arith.index_cast %parallel_loop3A_634 : i32 to index
        %parallel_loop3A_640 = arith.index_cast %parallel_loop3A_407 : i32 to index
        %parallel_loop3A_641 = tpu.vector_load %parallel_loop3A_638[%parallel_loop3A_639, %parallel_loop3A_640] {strides = array<i32>} : memref<4x1024xf32, #tpu.memory_space<vmem>>, vector<1x16xf32>,
        %parallel_loop3A_642 = vector.shape_cast %parallel_loop3A_641 : vector<1x16xf32> to vector<16xf32>
        %parallel_loop3A_643 = arith.constant 2 : i32
        %parallel_loop3A_644 = arith.constant 0 : i32
        %parallel_loop3A_645 = arith.constant 0 : i32
        %parallel_loop3A_646 = arith.constant 0 : i32
        %parallel_loop3A_647 = arith.constant 0 : i32
        %parallel_loop3A_648 = tpu.memref_slice %arg5[%rem3A_329, %parallel_loop3A_645, %parallel_loop3A_646, %parallel_loop3A_647] : memref<6x4x4x1024xf32, #tpu.memory_space<vmem>> -> memref<1x4x4x1024xf32, #tpu.memory_space<vmem>>
        %parallel_loop3A_649 = tpu.memref_squeeze %parallel_loop3A_648 : memref<1x4x4x1024xf32, #tpu.memory_space<vmem>> -> memref<4x4x1024xf32, #tpu.memory_space<vmem>>
        %parallel_loop3A_650 = arith.index_cast %parallel_loop3A_643 : i32 to index
        %parallel_loop3A_651 = arith.index_cast %parallel_loop3A_644 : i32 to index
        %parallel_loop3A_652 = arith.index_cast %parallel_loop3A_407 : i32 to index
        %parallel_loop3A_653 = tpu.vector_load %parallel_loop3A_649[%parallel_loop3A_650, %parallel_loop3A_651, %parallel_loop3A_652] {strides = array<i32>} : memref<4x4x1024xf32, #tpu.memory_space<vmem>>, vector<1x1x16xf32>,
        %parallel_loop3A_654 = vector.shape_cast %parallel_loop3A_653 : vector<1x1x16xf32> to vector<16xf32>
        %parallel_loop3A_655 = arith.addf %parallel_loop3A_654, %parallel_loop3A_642 : vector<16xf32>
        %parallel_loop3A_656 = arith.constant 2 : i32
        %parallel_loop3A_657 = arith.constant 0 : i32
        %parallel_loop3A_658 = arith.constant 0 : i32
        %parallel_loop3A_659 = arith.constant 0 : i32
        %parallel_loop3A_660 = arith.constant 0 : i32
        %parallel_loop3A_661 = tpu.memref_slice %arg5[%rem3A_329, %parallel_loop3A_658, %parallel_loop3A_659, %parallel_loop3A_660] : memref<6x4x4x1024xf32, #tpu.memory_space<vmem>> -> memref<1x4x4x1024xf32, #tpu.memory_space<vmem>>
        %parallel_loop3A_662 = tpu.memref_squeeze %parallel_loop3A_661 : memref<1x4x4x1024xf32, #tpu.memory_space<vmem>> -> memref<4x4x1024xf32, #tpu.memory_space<vmem>>
        %parallel_loop3A_663 = arith.index_cast %parallel_loop3A_656 : i32 to index
        %parallel_loop3A_664 = arith.index_cast %parallel_loop3A_657 : i32 to index
        %parallel_loop3A_665 = arith.index_cast %parallel_loop3A_407 : i32 to index
        %parallel_loop3A_666 = tpu.vector_load %parallel_loop3A_662[%parallel_loop3A_663, %parallel_loop3A_664, %parallel_loop3A_665] {strides = array<i32>} : memref<4x4x1024xf32, #tpu.memory_space<vmem>>, vector<1x1x16xf32>,
        %parallel_loop3A_667 = vector.shape_cast %parallel_loop3A_666 : vector<1x1x16xf32> to vector<16xf32>
        %parallel_loop3A_668 = vector.shape_cast %parallel_loop3A_655 : vector<16xf32> to vector<1x1x16xf32>
        tpu.vector_store %parallel_loop3A_662[%parallel_loop3A_663, %parallel_loop3A_664, %parallel_loop3A_665], %parallel_loop3A_668 {strides = array<i32>} : memref<4x4x1024xf32, #tpu.memory_space<vmem>>, vector<1x1x16xf32>,
        %parallel_loop3A_669 = arith.constant 2 : i32
        %parallel_loop3A_670 = arith.constant 1 : i32
        %parallel_loop3A_671 = arith.constant 0 : i32
        %parallel_loop3A_672 = arith.constant 0 : i32
        %parallel_loop3A_673 = arith.constant 0 : i32
        %parallel_loop3A_674 = tpu.memref_slice %arg5[%rem3A_329, %parallel_loop3A_671, %parallel_loop3A_672, %parallel_loop3A_673] : memref<6x4x4x1024xf32, #tpu.memory_space<vmem>> -> memref<1x4x4x1024xf32, #tpu.memory_space<vmem>>
        %parallel_loop3A_675 = tpu.memref_squeeze %parallel_loop3A_674 : memref<1x4x4x1024xf32, #tpu.memory_space<vmem>> -> memref<4x4x1024xf32, #tpu.memory_space<vmem>>
        %parallel_loop3A_676 = arith.index_cast %parallel_loop3A_669 : i32 to index
        %parallel_loop3A_677 = arith.index_cast %parallel_loop3A_670 : i32 to index
        %parallel_loop3A_678 = arith.index_cast %parallel_loop3A_407 : i32 to index
        %parallel_loop3A_679 = tpu.vector_load %parallel_loop3A_675[%parallel_loop3A_676, %parallel_loop3A_677, %parallel_loop3A_678] {strides = array<i32>} : memref<4x4x1024xf32, #tpu.memory_space<vmem>>, vector<1x1x16xf32>,
        %parallel_loop3A_680 = vector.shape_cast %parallel_loop3A_679 : vector<1x1x16xf32> to vector<16xf32>
        %parallel_loop3A_681 = arith.addf %parallel_loop3A_680, %parallel_loop3A_642 : vector<16xf32>
        %parallel_loop3A_682 = arith.constant 2 : i32
        %parallel_loop3A_683 = arith.constant 1 : i32
        %parallel_loop3A_684 = arith.constant 0 : i32
        %parallel_loop3A_685 = arith.constant 0 : i32
        %parallel_loop3A_686 = arith.constant 0 : i32
        %parallel_loop3A_687 = tpu.memref_slice %arg5[%rem3A_329, %parallel_loop3A_684, %parallel_loop3A_685, %parallel_loop3A_686] : memref<6x4x4x1024xf32, #tpu.memory_space<vmem>> -> memref<1x4x4x1024xf32, #tpu.memory_space<vmem>>
        %parallel_loop3A_688 = tpu.memref_squeeze %parallel_loop3A_687 : memref<1x4x4x1024xf32, #tpu.memory_space<vmem>> -> memref<4x4x1024xf32, #tpu.memory_space<vmem>>
        %parallel_loop3A_689 = arith.index_cast %parallel_loop3A_682 : i32 to index
        %parallel_loop3A_690 = arith.index_cast %parallel_loop3A_683 : i32 to index
        %parallel_loop3A_691 = arith.index_cast %parallel_loop3A_407 : i32 to index
        %parallel_loop3A_692 = tpu.vector_load %parallel_loop3A_688[%parallel_loop3A_689, %parallel_loop3A_690, %parallel_loop3A_691] {strides = array<i32>} : memref<4x4x1024xf32, #tpu.memory_space<vmem>>, vector<1x1x16xf32>,
        %parallel_loop3A_693 = vector.shape_cast %parallel_loop3A_692 : vector<1x1x16xf32> to vector<16xf32>
        %parallel_loop3A_694 = vector.shape_cast %parallel_loop3A_681 : vector<16xf32> to vector<1x1x16xf32>
        tpu.vector_store %parallel_loop3A_688[%parallel_loop3A_689, %parallel_loop3A_690, %parallel_loop3A_691], %parallel_loop3A_694 {strides = array<i32>} : memref<4x4x1024xf32, #tpu.memory_space<vmem>>, vector<1x1x16xf32>,
        %parallel_loop3A_695 = arith.constant 2 : i32
        %parallel_loop3A_696 = arith.constant 2 : i32
        %parallel_loop3A_697 = arith.constant 0 : i32
        %parallel_loop3A_698 = arith.constant 0 : i32
        %parallel_loop3A_699 = arith.constant 0 : i32
        %parallel_loop3A_700 = tpu.memref_slice %arg5[%rem3A_329, %parallel_loop3A_697, %parallel_loop3A_698, %parallel_loop3A_699] : memref<6x4x4x1024xf32, #tpu.memory_space<vmem>> -> memref<1x4x4x1024xf32, #tpu.memory_space<vmem>>
        %parallel_loop3A_701 = tpu.memref_squeeze %parallel_loop3A_700 : memref<1x4x4x1024xf32, #tpu.memory_space<vmem>> -> memref<4x4x1024xf32, #tpu.memory_space<vmem>>
        %parallel_loop3A_702 = arith.index_cast %parallel_loop3A_695 : i32 to index
        %parallel_loop3A_703 = arith.index_cast %parallel_loop3A_696 : i32 to index
        %parallel_loop3A_704 = arith.index_cast %parallel_loop3A_407 : i32 to index
        %parallel_loop3A_705 = tpu.vector_load %parallel_loop3A_701[%parallel_loop3A_702, %parallel_loop3A_703, %parallel_loop3A_704] {strides = array<i32>} : memref<4x4x1024xf32, #tpu.memory_space<vmem>>, vector<1x1x16xf32>,
        %parallel_loop3A_706 = vector.shape_cast %parallel_loop3A_705 : vector<1x1x16xf32> to vector<16xf32>
        %parallel_loop3A_707 = arith.addf %parallel_loop3A_706, %parallel_loop3A_642 : vector<16xf32>
        %parallel_loop3A_708 = arith.constant 2 : i32
        %parallel_loop3A_709 = arith.constant 2 : i32
        %parallel_loop3A_710 = arith.constant 0 : i32
        %parallel_loop3A_711 = arith.constant 0 : i32
        %parallel_loop3A_712 = arith.constant 0 : i32
        %parallel_loop3A_713 = tpu.memref_slice %arg5[%rem3A_329, %parallel_loop3A_710, %parallel_loop3A_711, %parallel_loop3A_712] : memref<6x4x4x1024xf32, #tpu.memory_space<vmem>> -> memref<1x4x4x1024xf32, #tpu.memory_space<vmem>>
        %parallel_loop3A_714 = tpu.memref_squeeze %parallel_loop3A_713 : memref<1x4x4x1024xf32, #tpu.memory_space<vmem>> -> memref<4x4x1024xf32, #tpu.memory_space<vmem>>
        %parallel_loop3A_715 = arith.index_cast %parallel_loop3A_708 : i32 to index
        %parallel_loop3A_716 = arith.index_cast %parallel_loop3A_709 : i32 to index
        %parallel_loop3A_717 = arith.index_cast %parallel_loop3A_407 : i32 to index
        %parallel_loop3A_718 = tpu.vector_load %parallel_loop3A_714[%parallel_loop3A_715, %parallel_loop3A_716, %parallel_loop3A_717] {strides = array<i32>} : memref<4x4x1024xf32, #tpu.memory_space<vmem>>, vector<1x1x16xf32>,
        %parallel_loop3A_719 = vector.shape_cast %parallel_loop3A_718 : vector<1x1x16xf32> to vector<16xf32>
        %parallel_loop3A_720 = vector.shape_cast %parallel_loop3A_707 : vector<16xf32> to vector<1x1x16xf32>
        tpu.vector_store %parallel_loop3A_714[%parallel_loop3A_715, %parallel_loop3A_716, %parallel_loop3A_717], %parallel_loop3A_720 {strides = array<i32>} : memref<4x4x1024xf32, #tpu.memory_space<vmem>>, vector<1x1x16xf32>,
        %parallel_loop3A_721 = arith.constant 2 : i32
        %parallel_loop3A_722 = arith.constant 3 : i32
        %parallel_loop3A_723 = arith.constant 0 : i32
        %parallel_loop3A_724 = arith.constant 0 : i32
        %parallel_loop3A_725 = arith.constant 0 : i32
        %parallel_loop3A_726 = tpu.memref_slice %arg5[%rem3A_329, %parallel_loop3A_723, %parallel_loop3A_724, %parallel_loop3A_725] : memref<6x4x4x1024xf32, #tpu.memory_space<vmem>> -> memref<1x4x4x1024xf32, #tpu.memory_space<vmem>>
        %parallel_loop3A_727 = tpu.memref_squeeze %parallel_loop3A_726 : memref<1x4x4x1024xf32, #tpu.memory_space<vmem>> -> memref<4x4x1024xf32, #tpu.memory_space<vmem>>
        %parallel_loop3A_728 = arith.index_cast %parallel_loop3A_721 : i32 to index
        %parallel_loop3A_729 = arith.index_cast %parallel_loop3A_722 : i32 to index
        %parallel_loop3A_730 = arith.index_cast %parallel_loop3A_407 : i32 to index
        %parallel_loop3A_731 = tpu.vector_load %parallel_loop3A_727[%parallel_loop3A_728, %parallel_loop3A_729, %parallel_loop3A_730] {strides = array<i32>} : memref<4x4x1024xf32, #tpu.memory_space<vmem>>, vector<1x1x16xf32>,
        %parallel_loop3A_732 = vector.shape_cast %parallel_loop3A_731 : vector<1x1x16xf32> to vector<16xf32>
        %parallel_loop3A_733 = arith.addf %parallel_loop3A_732, %parallel_loop3A_642 : vector<16xf32>
        %parallel_loop3A_734 = arith.constant 2 : i32
        %parallel_loop3A_735 = arith.constant 3 : i32
        %parallel_loop3A_736 = arith.constant 0 : i32
        %parallel_loop3A_737 = arith.constant 0 : i32
        %parallel_loop3A_738 = arith.constant 0 : i32
        %parallel_loop3A_739 = tpu.memref_slice %arg5[%rem3A_329, %parallel_loop3A_736, %parallel_loop3A_737, %parallel_loop3A_738] : memref<6x4x4x1024xf32, #tpu.memory_space<vmem>> -> memref<1x4x4x1024xf32, #tpu.memory_space<vmem>>
        %parallel_loop3A_740 = tpu.memref_squeeze %parallel_loop3A_739 : memref<1x4x4x1024xf32, #tpu.memory_space<vmem>> -> memref<4x4x1024xf32, #tpu.memory_space<vmem>>
        %parallel_loop3A_741 = arith.index_cast %parallel_loop3A_734 : i32 to index
        %parallel_loop3A_742 = arith.index_cast %parallel_loop3A_735 : i32 to index
        %parallel_loop3A_743 = arith.index_cast %parallel_loop3A_407 : i32 to index
        %parallel_loop3A_744 = tpu.vector_load %parallel_loop3A_740[%parallel_loop3A_741, %parallel_loop3A_742, %parallel_loop3A_743] {strides = array<i32>} : memref<4x4x1024xf32, #tpu.memory_space<vmem>>, vector<1x1x16xf32>,
        %parallel_loop3A_745 = vector.shape_cast %parallel_loop3A_744 : vector<1x1x16xf32> to vector<16xf32>
        %parallel_loop3A_746 = vector.shape_cast %parallel_loop3A_733 : vector<16xf32> to vector<1x1x16xf32>
        tpu.vector_store %parallel_loop3A_740[%parallel_loop3A_741, %parallel_loop3A_742, %parallel_loop3A_743], %parallel_loop3A_746 {strides = array<i32>} : memref<4x4x1024xf32, #tpu.memory_space<vmem>>, vector<1x1x16xf32>,
        %parallel_loop3A_747 = arith.constant 3 : i32
        %parallel_loop3A_748 = arith.constant 0 : i32
        %parallel_loop3A_749 = arith.constant 0 : i32
        %parallel_loop3A_750 = tpu.memref_slice %arg6[%rem3A_329, %parallel_loop3A_748, %parallel_loop3A_749] : memref<6x4x1024xf32, #tpu.memory_space<vmem>> -> memref<1x4x1024xf32, #tpu.memory_space<vmem>>
        %parallel_loop3A_751 = tpu.memref_squeeze %parallel_loop3A_750 : memref<1x4x1024xf32, #tpu.memory_space<vmem>> -> memref<4x1024xf32, #tpu.memory_space<vmem>>
        %parallel_loop3A_752 = arith.index_cast %parallel_loop3A_747 : i32 to index
        %parallel_loop3A_753 = arith.index_cast %parallel_loop3A_407 : i32 to index
        %parallel_loop3A_754 = tpu.vector_load %parallel_loop3A_751[%parallel_loop3A_752, %parallel_loop3A_753] {strides = array<i32>} : memref<4x1024xf32, #tpu.memory_space<vmem>>, vector<1x16xf32>,
        %parallel_loop3A_755 = vector.shape_cast %parallel_loop3A_754 : vector<1x16xf32> to vector<16xf32>
        %parallel_loop3A_756 = arith.constant 3 : i32
        %parallel_loop3A_757 = arith.constant 0 : i32
        %parallel_loop3A_758 = arith.constant 0 : i32
        %parallel_loop3A_759 = arith.constant 0 : i32
        %parallel_loop3A_760 = arith.constant 0 : i32
        %parallel_loop3A_761 = tpu.memref_slice %arg5[%rem3A_329, %parallel_loop3A_758, %parallel_loop3A_759, %parallel_loop3A_760] : memref<6x4x4x1024xf32, #tpu.memory_space<vmem>> -> memref<1x4x4x1024xf32, #tpu.memory_space<vmem>>
        %parallel_loop3A_762 = tpu.memref_squeeze %parallel_loop3A_761 : memref<1x4x4x1024xf32, #tpu.memory_space<vmem>> -> memref<4x4x1024xf32, #tpu.memory_space<vmem>>
        %parallel_loop3A_763 = arith.index_cast %parallel_loop3A_756 : i32 to index
        %parallel_loop3A_764 = arith.index_cast %parallel_loop3A_757 : i32 to index
        %parallel_loop3A_765 = arith.index_cast %parallel_loop3A_407 : i32 to index
        %parallel_loop3A_766 = tpu.vector_load %parallel_loop3A_762[%parallel_loop3A_763, %parallel_loop3A_764, %parallel_loop3A_765] {strides = array<i32>} : memref<4x4x1024xf32, #tpu.memory_space<vmem>>, vector<1x1x16xf32>,
        %parallel_loop3A_767 = vector.shape_cast %parallel_loop3A_766 : vector<1x1x16xf32> to vector<16xf32>
        %parallel_loop3A_768 = arith.addf %parallel_loop3A_767, %parallel_loop3A_755 : vector<16xf32>
        %parallel_loop3A_769 = arith.constant 3 : i32
        %parallel_loop3A_770 = arith.constant 0 : i32
        %parallel_loop3A_771 = arith.constant 0 : i32
        %parallel_loop3A_772 = arith.constant 0 : i32
        %parallel_loop3A_773 = arith.constant 0 : i32
        %parallel_loop3A_774 = tpu.memref_slice %arg5[%rem3A_329, %parallel_loop3A_771, %parallel_loop3A_772, %parallel_loop3A_773] : memref<6x4x4x1024xf32, #tpu.memory_space<vmem>> -> memref<1x4x4x1024xf32, #tpu.memory_space<vmem>>
        %parallel_loop3A_775 = tpu.memref_squeeze %parallel_loop3A_774 : memref<1x4x4x1024xf32, #tpu.memory_space<vmem>> -> memref<4x4x1024xf32, #tpu.memory_space<vmem>>
        %parallel_loop3A_776 = arith.index_cast %parallel_loop3A_769 : i32 to index
        %parallel_loop3A_777 = arith.index_cast %parallel_loop3A_770 : i32 to index
        %parallel_loop3A_778 = arith.index_cast %parallel_loop3A_407 : i32 to index
        %parallel_loop3A_779 = tpu.vector_load %parallel_loop3A_775[%parallel_loop3A_776, %parallel_loop3A_777, %parallel_loop3A_778] {strides = array<i32>} : memref<4x4x1024xf32, #tpu.memory_space<vmem>>, vector<1x1x16xf32>,
        %parallel_loop3A_780 = vector.shape_cast %parallel_loop3A_779 : vector<1x1x16xf32> to vector<16xf32>
        %parallel_loop3A_781 = vector.shape_cast %parallel_loop3A_768 : vector<16xf32> to vector<1x1x16xf32>
        tpu.vector_store %parallel_loop3A_775[%parallel_loop3A_776, %parallel_loop3A_777, %parallel_loop3A_778], %parallel_loop3A_781 {strides = array<i32>} : memref<4x4x1024xf32, #tpu.memory_space<vmem>>, vector<1x1x16xf32>,
        %parallel_loop3A_782 = arith.constant 3 : i32
        %parallel_loop3A_783 = arith.constant 1 : i32
        %parallel_loop3A_784 = arith.constant 0 : i32
        %parallel_loop3A_785 = arith.constant 0 : i32
        %parallel_loop3A_786 = arith.constant 0 : i32
        %parallel_loop3A_787 = tpu.memref_slice %arg5[%rem3A_329, %parallel_loop3A_784, %parallel_loop3A_785, %parallel_loop3A_786] : memref<6x4x4x1024xf32, #tpu.memory_space<vmem>> -> memref<1x4x4x1024xf32, #tpu.memory_space<vmem>>
        %parallel_loop3A_788 = tpu.memref_squeeze %parallel_loop3A_787 : memref<1x4x4x1024xf32, #tpu.memory_space<vmem>> -> memref<4x4x1024xf32, #tpu.memory_space<vmem>>
        %parallel_loop3A_789 = arith.index_cast %parallel_loop3A_782 : i32 to index
        %parallel_loop3A_790 = arith.index_cast %parallel_loop3A_783 : i32 to index
        %parallel_loop3A_791 = arith.index_cast %parallel_loop3A_407 : i32 to index
        %parallel_loop3A_792 = tpu.vector_load %parallel_loop3A_788[%parallel_loop3A_789, %parallel_loop3A_790, %parallel_loop3A_791] {strides = array<i32>} : memref<4x4x1024xf32, #tpu.memory_space<vmem>>, vector<1x1x16xf32>,
        %parallel_loop3A_793 = vector.shape_cast %parallel_loop3A_792 : vector<1x1x16xf32> to vector<16xf32>
        %parallel_loop3A_794 = arith.addf %parallel_loop3A_793, %parallel_loop3A_755 : vector<16xf32>
        %parallel_loop3A_795 = arith.constant 3 : i32
        %parallel_loop3A_796 = arith.constant 1 : i32
        %parallel_loop3A_797 = arith.constant 0 : i32
        %parallel_loop3A_798 = arith.constant 0 : i32
        %parallel_loop3A_799 = arith.constant 0 : i32
        %parallel_loop3A_800 = tpu.memref_slice %arg5[%rem3A_329, %parallel_loop3A_797, %parallel_loop3A_798, %parallel_loop3A_799] : memref<6x4x4x1024xf32, #tpu.memory_space<vmem>> -> memref<1x4x4x1024xf32, #tpu.memory_space<vmem>>
        %parallel_loop3A_801 = tpu.memref_squeeze %parallel_loop3A_800 : memref<1x4x4x1024xf32, #tpu.memory_space<vmem>> -> memref<4x4x1024xf32, #tpu.memory_space<vmem>>
        %parallel_loop3A_802 = arith.index_cast %parallel_loop3A_795 : i32 to index
        %parallel_loop3A_803 = arith.index_cast %parallel_loop3A_796 : i32 to index
        %parallel_loop3A_804 = arith.index_cast %parallel_loop3A_407 : i32 to index
        %parallel_loop3A_805 = tpu.vector_load %parallel_loop3A_801[%parallel_loop3A_802, %parallel_loop3A_803, %parallel_loop3A_804] {strides = array<i32>} : memref<4x4x1024xf32, #tpu.memory_space<vmem>>, vector<1x1x16xf32>,
        %parallel_loop3A_806 = vector.shape_cast %parallel_loop3A_805 : vector<1x1x16xf32> to vector<16xf32>
        %parallel_loop3A_807 = vector.shape_cast %parallel_loop3A_794 : vector<16xf32> to vector<1x1x16xf32>
        tpu.vector_store %parallel_loop3A_801[%parallel_loop3A_802, %parallel_loop3A_803, %parallel_loop3A_804], %parallel_loop3A_807 {strides = array<i32>} : memref<4x4x1024xf32, #tpu.memory_space<vmem>>, vector<1x1x16xf32>,
        %parallel_loop3A_808 = arith.constant 3 : i32
        %parallel_loop3A_809 = arith.constant 2 : i32
        %parallel_loop3A_810 = arith.constant 0 : i32
        %parallel_loop3A_811 = arith.constant 0 : i32
        %parallel_loop3A_812 = arith.constant 0 : i32
        %parallel_loop3A_813 = tpu.memref_slice %arg5[%rem3A_329, %parallel_loop3A_810, %parallel_loop3A_811, %parallel_loop3A_812] : memref<6x4x4x1024xf32, #tpu.memory_space<vmem>> -> memref<1x4x4x1024xf32, #tpu.memory_space<vmem>>
        %parallel_loop3A_814 = tpu.memref_squeeze %parallel_loop3A_813 : memref<1x4x4x1024xf32, #tpu.memory_space<vmem>> -> memref<4x4x1024xf32, #tpu.memory_space<vmem>>
        %parallel_loop3A_815 = arith.index_cast %parallel_loop3A_808 : i32 to index
        %parallel_loop3A_816 = arith.index_cast %parallel_loop3A_809 : i32 to index
        %parallel_loop3A_817 = arith.index_cast %parallel_loop3A_407 : i32 to index
        %parallel_loop3A_818 = tpu.vector_load %parallel_loop3A_814[%parallel_loop3A_815, %parallel_loop3A_816, %parallel_loop3A_817] {strides = array<i32>} : memref<4x4x1024xf32, #tpu.memory_space<vmem>>, vector<1x1x16xf32>,
        %parallel_loop3A_819 = vector.shape_cast %parallel_loop3A_818 : vector<1x1x16xf32> to vector<16xf32>
        %parallel_loop3A_820 = arith.addf %parallel_loop3A_819, %parallel_loop3A_755 : vector<16xf32>
        %parallel_loop3A_821 = arith.constant 3 : i32
        %parallel_loop3A_822 = arith.constant 2 : i32
        %parallel_loop3A_823 = arith.constant 0 : i32
        %parallel_loop3A_824 = arith.constant 0 : i32
        %parallel_loop3A_825 = arith.constant 0 : i32
        %parallel_loop3A_826 = tpu.memref_slice %arg5[%rem3A_329, %parallel_loop3A_823, %parallel_loop3A_824, %parallel_loop3A_825] : memref<6x4x4x1024xf32, #tpu.memory_space<vmem>> -> memref<1x4x4x1024xf32, #tpu.memory_space<vmem>>
        %parallel_loop3A_827 = tpu.memref_squeeze %parallel_loop3A_826 : memref<1x4x4x1024xf32, #tpu.memory_space<vmem>> -> memref<4x4x1024xf32, #tpu.memory_space<vmem>>
        %parallel_loop3A_828 = arith.index_cast %parallel_loop3A_821 : i32 to index
        %parallel_loop3A_829 = arith.index_cast %parallel_loop3A_822 : i32 to index
        %parallel_loop3A_830 = arith.index_cast %parallel_loop3A_407 : i32 to index
        %parallel_loop3A_831 = tpu.vector_load %parallel_loop3A_827[%parallel_loop3A_828, %parallel_loop3A_829, %parallel_loop3A_830] {strides = array<i32>} : memref<4x4x1024xf32, #tpu.memory_space<vmem>>, vector<1x1x16xf32>,
        %parallel_loop3A_832 = vector.shape_cast %parallel_loop3A_831 : vector<1x1x16xf32> to vector<16xf32>
        %parallel_loop3A_833 = vector.shape_cast %parallel_loop3A_820 : vector<16xf32> to vector<1x1x16xf32>
        tpu.vector_store %parallel_loop3A_827[%parallel_loop3A_828, %parallel_loop3A_829, %parallel_loop3A_830], %parallel_loop3A_833 {strides = array<i32>} : memref<4x4x1024xf32, #tpu.memory_space<vmem>>, vector<1x1x16xf32>,
        %parallel_loop3A_834 = arith.constant 3 : i32
        %parallel_loop3A_835 = arith.constant 3 : i32
        %parallel_loop3A_836 = arith.constant 0 : i32
        %parallel_loop3A_837 = arith.constant 0 : i32
        %parallel_loop3A_838 = arith.constant 0 : i32
        %parallel_loop3A_839 = tpu.memref_slice %arg5[%rem3A_329, %parallel_loop3A_836, %parallel_loop3A_837, %parallel_loop3A_838] : memref<6x4x4x1024xf32, #tpu.memory_space<vmem>> -> memref<1x4x4x1024xf32, #tpu.memory_space<vmem>>
        %parallel_loop3A_840 = tpu.memref_squeeze %parallel_loop3A_839 : memref<1x4x4x1024xf32, #tpu.memory_space<vmem>> -> memref<4x4x1024xf32, #tpu.memory_space<vmem>>
        %parallel_loop3A_841 = arith.index_cast %parallel_loop3A_834 : i32 to index
        %parallel_loop3A_842 = arith.index_cast %parallel_loop3A_835 : i32 to index
        %parallel_loop3A_843 = arith.index_cast %parallel_loop3A_407 : i32 to index
        %parallel_loop3A_844 = tpu.vector_load %parallel_loop3A_840[%parallel_loop3A_841, %parallel_loop3A_842, %parallel_loop3A_843] {strides = array<i32>} : memref<4x4x1024xf32, #tpu.memory_space<vmem>>, vector<1x1x16xf32>,
        %parallel_loop3A_845 = vector.shape_cast %parallel_loop3A_844 : vector<1x1x16xf32> to vector<16xf32>
        %parallel_loop3A_846 = arith.addf %parallel_loop3A_845, %parallel_loop3A_755 : vector<16xf32>
        %parallel_loop3A_847 = arith.constant 3 : i32
        %parallel_loop3A_848 = arith.constant 3 : i32
        %parallel_loop3A_849 = arith.constant 0 : i32
        %parallel_loop3A_850 = arith.constant 0 : i32
        %parallel_loop3A_851 = arith.constant 0 : i32
        %parallel_loop3A_852 = tpu.memref_slice %arg5[%rem3A_329, %parallel_loop3A_849, %parallel_loop3A_850, %parallel_loop3A_851] : memref<6x4x4x1024xf32, #tpu.memory_space<vmem>> -> memref<1x4x4x1024xf32, #tpu.memory_space<vmem>>
        %parallel_loop3A_853 = tpu.memref_squeeze %parallel_loop3A_852 : memref<1x4x4x1024xf32, #tpu.memory_space<vmem>> -> memref<4x4x1024xf32, #tpu.memory_space<vmem>>
        %parallel_loop3A_854 = arith.index_cast %parallel_loop3A_847 : i32 to index
        %parallel_loop3A_855 = arith.index_cast %parallel_loop3A_848 : i32 to index
        %parallel_loop3A_856 = arith.index_cast %parallel_loop3A_407 : i32 to index
        %parallel_loop3A_857 = tpu.vector_load %parallel_loop3A_853[%parallel_loop3A_854, %parallel_loop3A_855, %parallel_loop3A_856] {strides = array<i32>} : memref<4x4x1024xf32, #tpu.memory_space<vmem>>, vector<1x1x16xf32>,
        %parallel_loop3A_858 = vector.shape_cast %parallel_loop3A_857 : vector<1x1x16xf32> to vector<16xf32>
        %parallel_loop3A_859 = vector.shape_cast %parallel_loop3A_846 : vector<16xf32> to vector<1x1x16xf32>
        tpu.vector_store %parallel_loop3A_853[%parallel_loop3A_854, %parallel_loop3A_855, %parallel_loop3A_856], %parallel_loop3A_859 {strides = array<i32>} : memref<4x4x1024xf32, #tpu.memory_space<vmem>>, vector<1x1x16xf32>,
      } {sc.loop_unroll_factor = 4 : i64, sc.parallel_access}
      %mul3A_372 = arith.constant 4 : i32
      %mul3A_373 = arith.muli %scan3A_328, %mul3A_372 : i32
      %add3A_374 = arith.addi %mul3A_2, %mul3A_373 : i32
      %dma_start3A_375 = arith.constant 0 : i32
      %dma_start3A_376 = arith.constant 0 : i32
      %dma_start3A_377 = arith.constant 0 : i32
      %dma_start3A_378 = tpu.memref_slice %arg5[%rem3A_329, %dma_start3A_375, %dma_start3A_376, %dma_start3A_377] : memref<6x4x4x1024xf32, #tpu.memory_space<vmem>> -> memref<1x4x4x1024xf32, #tpu.memory_space<vmem>>
      %dma_start3A_379 = tpu.memref_squeeze %dma_start3A_378 : memref<1x4x4x1024xf32, #tpu.memory_space<vmem>> -> memref<4x4x1024xf32, #tpu.memory_space<vmem>>
      %dma_start3A_380 = arith.constant 0 : i32
      %dma_start3A_381 = arith.constant 0 : i32
      %dma_start3A_382 = tpu.memref_slice %arg4[%add3A_374, %dma_start3A_380, %dma_start3A_381] : memref<8192x4x1024xf32, #tpu.memory_space<hbm>> -> memref<4x4x1024xf32, #tpu.memory_space<hbm>>
      %dma_start3A_383 = tpu.memref_slice %arg9[%rem3A_329] : memref<6x!tpu.dma_semaphore, #tpu.memory_space<semaphore_mem>> -> memref<1x!tpu.dma_semaphore, #tpu.memory_space<semaphore_mem>>
      %dma_start3A_384 = tpu.memref_squeeze %dma_start3A_383 : memref<1x!tpu.dma_semaphore, #tpu.memory_space<semaphore_mem>> -> memref<!tpu.dma_semaphore, #tpu.memory_space<semaphore_mem>>
      %dma_start3A_385 = arith.constant 0 : i32
      %dma_start3A_386 = arith.constant 0 : i32
      %dma_start3A_387 = tpu.memref_slice %arg4[%add3A_374, %dma_start3A_385, %dma_start3A_386] : memref<8192x4x1024xf32, #tpu.memory_space<hbm>> -> memref<4x4x1024xf32, #tpu.memory_space<hbm>>
      %dma_start3A_388 = arith.constant 0 : i32
      %dma_start3A_389 = arith.constant 0 : i32
      %dma_start3A_390 = arith.constant 0 : i32
      %dma_start3A_391 = tpu.memref_slice %arg5[%rem3A_329, %dma_start3A_388, %dma_start3A_389, %dma_start3A_390] : memref<6x4x4x1024xf32, #tpu.memory_space<vmem>> -> memref<1x4x4x1024xf32, #tpu.memory_space<vmem>>
      %dma_start3A_392 = tpu.memref_squeeze %dma_start3A_391 : memref<1x4x4x1024xf32, #tpu.memory_space<vmem>> -> memref<4x4x1024xf32, #tpu.memory_space<vmem>>
      tpu.enqueue_dma source(%dma_start3A_392 : memref<4x4x1024xf32, #tpu.memory_space<vmem>>) target(%dma_start3A_387 : memref<4x4x1024xf32, #tpu.memory_space<hbm>>) target_semaphore(%dma_start3A_384 : memref<!tpu.dma_semaphore, #tpu.memory_space<semaphore_mem>>)
      %ge3A = arith.constant 1 : i32
      %ge3A_393 = arith.cmpi sge, %scan3A_328, %ge3A : i32
      %add3A_394 = arith.constant 5 : i32
      %add3A_395 = arith.addi %scan3A_328, %add3A_394 : i32
      %lt3A = arith.constant 64 : i32
      %lt3A_396 = arith.cmpi slt, %add3A_395, %lt3A : i32
      %and3A = arith.andi %ge3A_393, %lt3A_396 : i1
      %convert_element_type3A = arith.extui %and3A : i1 to i32
      %cond3A = arith.constant 0 : i32
      %cond3A_397 = arith.cmpi ne, %convert_element_type3A, %cond3A : i32
      scf.if %cond3A_397 {
        %dma_wait3A_405 = arith.constant 0 : i32
        %dma_wait3A_406 = arith.constant 0 : i32
        %dma_wait3A_407 = arith.constant 0 : i32
        %dma_wait3A_408 = tpu.memref_slice %arg5[%rem3A_333, %dma_wait3A_405, %dma_wait3A_406, %dma_wait3A_407] : memref<6x4x4x1024xf32, #tpu.memory_space<vmem>> -> memref<1x4x4x1024xf32, #tpu.memory_space<vmem>>
        %dma_wait3A_409 = tpu.memref_squeeze %dma_wait3A_408 : memref<1x4x4x1024xf32, #tpu.memory_space<vmem>> -> memref<4x4x1024xf32, #tpu.memory_space<vmem>>
        %dma_wait3A_410 = arith.constant 0 : i32
        %dma_wait3A_411 = arith.constant 0 : i32
        %dma_wait3A_412 = arith.constant 0 : i32
        %dma_wait3A_413 = tpu.memref_slice %arg4[%dma_wait3A_410, %dma_wait3A_411, %dma_wait3A_412] : memref<8192x4x1024xf32, #tpu.memory_space<hbm>> -> memref<4x4x1024xf32, #tpu.memory_space<hbm>>
        %dma_wait3A_414 = tpu.memref_slice %arg9[%rem3A_333] : memref<6x!tpu.dma_semaphore, #tpu.memory_space<semaphore_mem>> -> memref<1x!tpu.dma_semaphore, #tpu.memory_space<semaphore_mem>>
        %dma_wait3A_415 = tpu.memref_squeeze %dma_wait3A_414 : memref<1x!tpu.dma_semaphore, #tpu.memory_space<semaphore_mem>> -> memref<!tpu.dma_semaphore, #tpu.memory_space<semaphore_mem>>
        %dma_wait3A_416 = arith.constant 0 : i32
        %dma_wait3A_417 = arith.constant 0 : i32
        %dma_wait3A_418 = arith.constant 0 : i32
        %dma_wait3A_419 = tpu.memref_slice %arg4[%dma_wait3A_416, %dma_wait3A_417, %dma_wait3A_418] : memref<8192x4x1024xf32, #tpu.memory_space<hbm>> -> memref<4x4x1024xf32, #tpu.memory_space<hbm>>
        %dma_wait3A_420 = arith.constant 0 : i32
        %dma_wait3A_421 = arith.constant 0 : i32
        %dma_wait3A_422 = arith.constant 0 : i32
        %dma_wait3A_423 = tpu.memref_slice %arg5[%rem3A_333, %dma_wait3A_420, %dma_wait3A_421, %dma_wait3A_422] : memref<6x4x4x1024xf32, #tpu.memory_space<vmem>> -> memref<1x4x4x1024xf32, #tpu.memory_space<vmem>>
        %dma_wait3A_424 = tpu.memref_squeeze %dma_wait3A_423 : memref<1x4x4x1024xf32, #tpu.memory_space<vmem>> -> memref<4x4x1024xf32, #tpu.memory_space<vmem>>
        tpu.wait_dma2 semaphore(%dma_wait3A_415 : memref<!tpu.dma_semaphore, #tpu.memory_space<semaphore_mem>>) src(%dma_wait3A_424 : memref<4x4x1024xf32, #tpu.memory_space<vmem>>) dst(%dma_wait3A_419 : memref<4x4x1024xf32, #tpu.memory_space<hbm>>)
      } else {
      }
      %add3A_398 = arith.constant 5 : i32
      %add3A_399 = arith.addi %scan3A_328, %add3A_398 : i32
      %lt3A_400 = arith.constant 64 : i32
      %lt3A_401 = arith.cmpi slt, %add3A_399, %lt3A_400 : i32
      %convert_element_type3A_402 = arith.extui %lt3A_401 : i1 to i32
      %cond3A_403 = arith.constant 0 : i32
      %cond3A_404 = arith.cmpi ne, %convert_element_type3A_402, %cond3A_403 : i32
      scf.if %cond3A_404 {
        %add3A_405 = arith.constant 5 : i32
        %add3A_406 = arith.addi %scan3A_328, %add3A_405 : i32
        %mul3A_407 = arith.constant 4 : i32
        %mul3A_408 = arith.muli %add3A_406, %mul3A_407 : i32
        %add3A_409 = arith.addi %mul3A_2, %mul3A_408 : i32
        %dma_start3A_410 = arith.constant 0 : i32
        %dma_start3A_411 = arith.constant 0 : i32
        %dma_start3A_412 = arith.constant 0 : i32
        %dma_start3A_413 = tpu.memref_slice %arg5[%rem3A_333, %dma_start3A_410, %dma_start3A_411, %dma_start3A_412] : memref<6x4x4x1024xf32, #tpu.memory_space<vmem>> -> memref<1x4x4x1024xf32, #tpu.memory_space<vmem>>
        %dma_start3A_414 = tpu.memref_squeeze %dma_start3A_413 : memref<1x4x4x1024xf32, #tpu.memory_space<vmem>> -> memref<4x4x1024xf32, #tpu.memory_space<vmem>>
        %dma_start3A_415 = arith.constant 0 : i32
        %dma_start3A_416 = arith.constant 0 : i32
        %dma_start3A_417 = tpu.memref_slice %arg2[%add3A_409, %dma_start3A_415, %dma_start3A_416] : memref<8192x4x1024xf32, #tpu.memory_space<hbm>> -> memref<4x4x1024xf32, #tpu.memory_space<hbm>>
        %dma_start3A_418 = tpu.memref_slice %arg7[%rem3A_333] : memref<6x!tpu.dma_semaphore, #tpu.memory_space<semaphore_mem>> -> memref<1x!tpu.dma_semaphore, #tpu.memory_space<semaphore_mem>>
        %dma_start3A_419 = tpu.memref_squeeze %dma_start3A_418 : memref<1x!tpu.dma_semaphore, #tpu.memory_space<semaphore_mem>> -> memref<!tpu.dma_semaphore, #tpu.memory_space<semaphore_mem>>
        %dma_start3A_420 = arith.constant 0 : i32
        %dma_start3A_421 = arith.constant 0 : i32
        %dma_start3A_422 = arith.constant 0 : i32
        %dma_start3A_423 = tpu.memref_slice %arg5[%rem3A_333, %dma_start3A_420, %dma_start3A_421, %dma_start3A_422] : memref<6x4x4x1024xf32, #tpu.memory_space<vmem>> -> memref<1x4x4x1024xf32, #tpu.memory_space<vmem>>
        %dma_start3A_424 = tpu.memref_squeeze %dma_start3A_423 : memref<1x4x4x1024xf32, #tpu.memory_space<vmem>> -> memref<4x4x1024xf32, #tpu.memory_space<vmem>>
        %dma_start3A_425 = arith.constant 0 : i32
        %dma_start3A_426 = arith.constant 0 : i32
        %dma_start3A_427 = tpu.memref_slice %arg2[%add3A_409, %dma_start3A_425, %dma_start3A_426] : memref<8192x4x1024xf32, #tpu.memory_space<hbm>> -> memref<4x4x1024xf32, #tpu.memory_space<hbm>>
        tpu.enqueue_dma source(%dma_start3A_427 : memref<4x4x1024xf32, #tpu.memory_space<hbm>>) target(%dma_start3A_424 : memref<4x4x1024xf32, #tpu.memory_space<vmem>>) target_semaphore(%dma_start3A_419 : memref<!tpu.dma_semaphore, #tpu.memory_space<semaphore_mem>>)
        %dma_start3A_428 = arith.constant 0 : i32
        %dma_start3A_429 = arith.constant 0 : i32
        %dma_start3A_430 = tpu.memref_slice %arg6[%rem3A_333, %dma_start3A_428, %dma_start3A_429] : memref<6x4x1024xf32, #tpu.memory_space<vmem>> -> memref<1x4x1024xf32, #tpu.memory_space<vmem>>
        %dma_start3A_431 = tpu.memref_squeeze %dma_start3A_430 : memref<1x4x1024xf32, #tpu.memory_space<vmem>> -> memref<4x1024xf32, #tpu.memory_space<vmem>>
        %dma_start3A_432 = arith.constant 0 : i32
        %dma_start3A_433 = tpu.memref_slice %arg3[%add3A_409, %dma_start3A_432] : memref<8192x1024xf32, #tpu.memory_space<hbm>> -> memref<4x1024xf32, #tpu.memory_space<hbm>>
        %dma_start3A_434 = tpu.memref_slice %arg8[%rem3A_333] : memref<6x!tpu.dma_semaphore, #tpu.memory_space<semaphore_mem>> -> memref<1x!tpu.dma_semaphore, #tpu.memory_space<semaphore_mem>>
        %dma_start3A_435 = tpu.memref_squeeze %dma_start3A_434 : memref<1x!tpu.dma_semaphore, #tpu.memory_space<semaphore_mem>> -> memref<!tpu.dma_semaphore, #tpu.memory_space<semaphore_mem>>
        %dma_start3A_436 = arith.constant 0 : i32
        %dma_start3A_437 = arith.constant 0 : i32
        %dma_start3A_438 = tpu.memref_slice %arg6[%rem3A_333, %dma_start3A_436, %dma_start3A_437] : memref<6x4x1024xf32, #tpu.memory_space<vmem>> -> memref<1x4x1024xf32, #tpu.memory_space<vmem>>
        %dma_start3A_439 = tpu.memref_squeeze %dma_start3A_438 : memref<1x4x1024xf32, #tpu.memory_space<vmem>> -> memref<4x1024xf32, #tpu.memory_space<vmem>>
        %dma_start3A_440 = arith.constant 0 : i32
        %dma_start3A_441 = tpu.memref_slice %arg3[%add3A_409, %dma_start3A_440] : memref<8192x1024xf32, #tpu.memory_space<hbm>> -> memref<4x1024xf32, #tpu.memory_space<hbm>>
        tpu.enqueue_dma source(%dma_start3A_441 : memref<4x1024xf32, #tpu.memory_space<hbm>>) target(%dma_start3A_439 : memref<4x1024xf32, #tpu.memory_space<vmem>>) target_semaphore(%dma_start3A_435 : memref<!tpu.dma_semaphore, #tpu.memory_space<semaphore_mem>>)
      } else {
      }
    }
    %scan3A_196 = arith.constant 64 : i32
    %dma_wait3A = arith.constant 0 : i32
    %dma_wait3A_197 = arith.constant 0 : i32
    %dma_wait3A_198 = arith.constant 0 : i32
    %dma_wait3A_199 = arith.constant 0 : i32
    %dma_wait3A_200 = arith.constant 0 : i32
    %dma_wait3A_201 = tpu.memref_slice %arg5[%dma_wait3A, %dma_wait3A_198, %dma_wait3A_199, %dma_wait3A_200] : memref<6x4x4x1024xf32, #tpu.memory_space<vmem>> -> memref<1x4x4x1024xf32, #tpu.memory_space<vmem>>
    %dma_wait3A_202 = tpu.memref_squeeze %dma_wait3A_201 : memref<1x4x4x1024xf32, #tpu.memory_space<vmem>> -> memref<4x4x1024xf32, #tpu.memory_space<vmem>>
    %dma_wait3A_203 = arith.constant 0 : i32
    %dma_wait3A_204 = arith.constant 0 : i32
    %dma_wait3A_205 = arith.constant 0 : i32
    %dma_wait3A_206 = tpu.memref_slice %arg4[%dma_wait3A_203, %dma_wait3A_204, %dma_wait3A_205] : memref<8192x4x1024xf32, #tpu.memory_space<hbm>> -> memref<4x4x1024xf32, #tpu.memory_space<hbm>>
    %dma_wait3A_207 = tpu.memref_slice %arg9[%dma_wait3A_197] : memref<6x!tpu.dma_semaphore, #tpu.memory_space<semaphore_mem>> -> memref<1x!tpu.dma_semaphore, #tpu.memory_space<semaphore_mem>>
    %dma_wait3A_208 = tpu.memref_squeeze %dma_wait3A_207 : memref<1x!tpu.dma_semaphore, #tpu.memory_space<semaphore_mem>> -> memref<!tpu.dma_semaphore, #tpu.memory_space<semaphore_mem>>
    %dma_wait3A_209 = arith.constant 0 : i32
    %dma_wait3A_210 = arith.constant 0 : i32
    %dma_wait3A_211 = arith.constant 0 : i32
    %dma_wait3A_212 = tpu.memref_slice %arg4[%dma_wait3A_209, %dma_wait3A_210, %dma_wait3A_211] : memref<8192x4x1024xf32, #tpu.memory_space<hbm>> -> memref<4x4x1024xf32, #tpu.memory_space<hbm>>
    %dma_wait3A_213 = arith.constant 0 : i32
    %dma_wait3A_214 = arith.constant 0 : i32
    %dma_wait3A_215 = arith.constant 0 : i32
    %dma_wait3A_216 = tpu.memref_slice %arg5[%dma_wait3A, %dma_wait3A_213, %dma_wait3A_214, %dma_wait3A_215] : memref<6x4x4x1024xf32, #tpu.memory_space<vmem>> -> memref<1x4x4x1024xf32, #tpu.memory_space<vmem>>
    %dma_wait3A_217 = tpu.memref_squeeze %dma_wait3A_216 : memref<1x4x4x1024xf32, #tpu.memory_space<vmem>> -> memref<4x4x1024xf32, #tpu.memory_space<vmem>>
    tpu.wait_dma2 semaphore(%dma_wait3A_208 : memref<!tpu.dma_semaphore, #tpu.memory_space<semaphore_mem>>) src(%dma_wait3A_217 : memref<4x4x1024xf32, #tpu.memory_space<vmem>>) dst(%dma_wait3A_212 : memref<4x4x1024xf32, #tpu.memory_space<hbm>>)
    %dma_wait3A_218 = arith.constant 1 : i32
    %dma_wait3A_219 = arith.constant 1 : i32
    %dma_wait3A_220 = arith.constant 0 : i32
    %dma_wait3A_221 = arith.constant 0 : i32
    %dma_wait3A_222 = arith.constant 0 : i32
    %dma_wait3A_223 = tpu.memref_slice %arg5[%dma_wait3A_218, %dma_wait3A_220, %dma_wait3A_221, %dma_wait3A_222] : memref<6x4x4x1024xf32, #tpu.memory_space<vmem>> -> memref<1x4x4x1024xf32, #tpu.memory_space<vmem>>
    %dma_wait3A_224 = tpu.memref_squeeze %dma_wait3A_223 : memref<1x4x4x1024xf32, #tpu.memory_space<vmem>> -> memref<4x4x1024xf32, #tpu.memory_space<vmem>>
    %dma_wait3A_225 = arith.constant 0 : i32
    %dma_wait3A_226 = arith.constant 0 : i32
    %dma_wait3A_227 = arith.constant 0 : i32
    %dma_wait3A_228 = tpu.memref_slice %arg4[%dma_wait3A_225, %dma_wait3A_226, %dma_wait3A_227] : memref<8192x4x1024xf32, #tpu.memory_space<hbm>> -> memref<4x4x1024xf32, #tpu.memory_space<hbm>>
    %dma_wait3A_229 = tpu.memref_slice %arg9[%dma_wait3A_219] : memref<6x!tpu.dma_semaphore, #tpu.memory_space<semaphore_mem>> -> memref<1x!tpu.dma_semaphore, #tpu.memory_space<semaphore_mem>>
    %dma_wait3A_230 = tpu.memref_squeeze %dma_wait3A_229 : memref<1x!tpu.dma_semaphore, #tpu.memory_space<semaphore_mem>> -> memref<!tpu.dma_semaphore, #tpu.memory_space<semaphore_mem>>
    %dma_wait3A_231 = arith.constant 0 : i32
    %dma_wait3A_232 = arith.constant 0 : i32
    %dma_wait3A_233 = arith.constant 0 : i32
    %dma_wait3A_234 = tpu.memref_slice %arg4[%dma_wait3A_231, %dma_wait3A_232, %dma_wait3A_233] : memref<8192x4x1024xf32, #tpu.memory_space<hbm>> -> memref<4x4x1024xf32, #tpu.memory_space<hbm>>
    %dma_wait3A_235 = arith.constant 0 : i32
    %dma_wait3A_236 = arith.constant 0 : i32
    %dma_wait3A_237 = arith.constant 0 : i32
    %dma_wait3A_238 = tpu.memref_slice %arg5[%dma_wait3A_218, %dma_wait3A_235, %dma_wait3A_236, %dma_wait3A_237] : memref<6x4x4x1024xf32, #tpu.memory_space<vmem>> -> memref<1x4x4x1024xf32, #tpu.memory_space<vmem>>
    %dma_wait3A_239 = tpu.memref_squeeze %dma_wait3A_238 : memref<1x4x4x1024xf32, #tpu.memory_space<vmem>> -> memref<4x4x1024xf32, #tpu.memory_space<vmem>>
    tpu.wait_dma2 semaphore(%dma_wait3A_230 : memref<!tpu.dma_semaphore, #tpu.memory_space<semaphore_mem>>) src(%dma_wait3A_239 : memref<4x4x1024xf32, #tpu.memory_space<vmem>>) dst(%dma_wait3A_234 : memref<4x4x1024xf32, #tpu.memory_space<hbm>>)
    %dma_wait3A_240 = arith.constant 2 : i32
    %dma_wait3A_241 = arith.constant 2 : i32
    %dma_wait3A_242 = arith.constant 0 : i32
    %dma_wait3A_243 = arith.constant 0 : i32
    %dma_wait3A_244 = arith.constant 0 : i32
    %dma_wait3A_245 = tpu.memref_slice %arg5[%dma_wait3A_240, %dma_wait3A_242, %dma_wait3A_243, %dma_wait3A_244] : memref<6x4x4x1024xf32, #tpu.memory_space<vmem>> -> memref<1x4x4x1024xf32, #tpu.memory_space<vmem>>
    %dma_wait3A_246 = tpu.memref_squeeze %dma_wait3A_245 : memref<1x4x4x1024xf32, #tpu.memory_space<vmem>> -> memref<4x4x1024xf32, #tpu.memory_space<vmem>>
    %dma_wait3A_247 = arith.constant 0 : i32
    %dma_wait3A_248 = arith.constant 0 : i32
    %dma_wait3A_249 = arith.constant 0 : i32
    %dma_wait3A_250 = tpu.memref_slice %arg4[%dma_wait3A_247, %dma_wait3A_248, %dma_wait3A_249] : memref<8192x4x1024xf32, #tpu.memory_space<hbm>> -> memref<4x4x1024xf32, #tpu.memory_space<hbm>>
    %dma_wait3A_251 = tpu.memref_slice %arg9[%dma_wait3A_241] : memref<6x!tpu.dma_semaphore, #tpu.memory_space<semaphore_mem>> -> memref<1x!tpu.dma_semaphore, #tpu.memory_space<semaphore_mem>>
    %dma_wait3A_252 = tpu.memref_squeeze %dma_wait3A_251 : memref<1x!tpu.dma_semaphore, #tpu.memory_space<semaphore_mem>> -> memref<!tpu.dma_semaphore, #tpu.memory_space<semaphore_mem>>
    %dma_wait3A_253 = arith.constant 0 : i32
    %dma_wait3A_254 = arith.constant 0 : i32
    %dma_wait3A_255 = arith.constant 0 : i32
    %dma_wait3A_256 = tpu.memref_slice %arg4[%dma_wait3A_253, %dma_wait3A_254, %dma_wait3A_255] : memref<8192x4x1024xf32, #tpu.memory_space<hbm>> -> memref<4x4x1024xf32, #tpu.memory_space<hbm>>
    %dma_wait3A_257 = arith.constant 0 : i32
    %dma_wait3A_258 = arith.constant 0 : i32
    %dma_wait3A_259 = arith.constant 0 : i32
    %dma_wait3A_260 = tpu.memref_slice %arg5[%dma_wait3A_240, %dma_wait3A_257, %dma_wait3A_258, %dma_wait3A_259] : memref<6x4x4x1024xf32, #tpu.memory_space<vmem>> -> memref<1x4x4x1024xf32, #tpu.memory_space<vmem>>
    %dma_wait3A_261 = tpu.memref_squeeze %dma_wait3A_260 : memref<1x4x4x1024xf32, #tpu.memory_space<vmem>> -> memref<4x4x1024xf32, #tpu.memory_space<vmem>>
    tpu.wait_dma2 semaphore(%dma_wait3A_252 : memref<!tpu.dma_semaphore, #tpu.memory_space<semaphore_mem>>) src(%dma_wait3A_261 : memref<4x4x1024xf32, #tpu.memory_space<vmem>>) dst(%dma_wait3A_256 : memref<4x4x1024xf32, #tpu.memory_space<hbm>>)
    %dma_wait3A_262 = arith.constant 3 : i32
    %dma_wait3A_263 = arith.constant 3 : i32
    %dma_wait3A_264 = arith.constant 0 : i32
    %dma_wait3A_265 = arith.constant 0 : i32
    %dma_wait3A_266 = arith.constant 0 : i32
    %dma_wait3A_267 = tpu.memref_slice %arg5[%dma_wait3A_262, %dma_wait3A_264, %dma_wait3A_265, %dma_wait3A_266] : memref<6x4x4x1024xf32, #tpu.memory_space<vmem>> -> memref<1x4x4x1024xf32, #tpu.memory_space<vmem>>
    %dma_wait3A_268 = tpu.memref_squeeze %dma_wait3A_267 : memref<1x4x4x1024xf32, #tpu.memory_space<vmem>> -> memref<4x4x1024xf32, #tpu.memory_space<vmem>>
    %dma_wait3A_269 = arith.constant 0 : i32
    %dma_wait3A_270 = arith.constant 0 : i32
    %dma_wait3A_271 = arith.constant 0 : i32
    %dma_wait3A_272 = tpu.memref_slice %arg4[%dma_wait3A_269, %dma_wait3A_270, %dma_wait3A_271] : memref<8192x4x1024xf32, #tpu.memory_space<hbm>> -> memref<4x4x1024xf32, #tpu.memory_space<hbm>>
    %dma_wait3A_273 = tpu.memref_slice %arg9[%dma_wait3A_263] : memref<6x!tpu.dma_semaphore, #tpu.memory_space<semaphore_mem>> -> memref<1x!tpu.dma_semaphore, #tpu.memory_space<semaphore_mem>>
    %dma_wait3A_274 = tpu.memref_squeeze %dma_wait3A_273 : memref<1x!tpu.dma_semaphore, #tpu.memory_space<semaphore_mem>> -> memref<!tpu.dma_semaphore, #tpu.memory_space<semaphore_mem>>
    %dma_wait3A_275 = arith.constant 0 : i32
    %dma_wait3A_276 = arith.constant 0 : i32
    %dma_wait3A_277 = arith.constant 0 : i32
    %dma_wait3A_278 = tpu.memref_slice %arg4[%dma_wait3A_275, %dma_wait3A_276, %dma_wait3A_277] : memref<8192x4x1024xf32, #tpu.memory_space<hbm>> -> memref<4x4x1024xf32, #tpu.memory_space<hbm>>
    %dma_wait3A_279 = arith.constant 0 : i32
    %dma_wait3A_280 = arith.constant 0 : i32
    %dma_wait3A_281 = arith.constant 0 : i32
    %dma_wait3A_282 = tpu.memref_slice %arg5[%dma_wait3A_262, %dma_wait3A_279, %dma_wait3A_280, %dma_wait3A_281] : memref<6x4x4x1024xf32, #tpu.memory_space<vmem>> -> memref<1x4x4x1024xf32, #tpu.memory_space<vmem>>
    %dma_wait3A_283 = tpu.memref_squeeze %dma_wait3A_282 : memref<1x4x4x1024xf32, #tpu.memory_space<vmem>> -> memref<4x4x1024xf32, #tpu.memory_space<vmem>>
    tpu.wait_dma2 semaphore(%dma_wait3A_274 : memref<!tpu.dma_semaphore, #tpu.memory_space<semaphore_mem>>) src(%dma_wait3A_283 : memref<4x4x1024xf32, #tpu.memory_space<vmem>>) dst(%dma_wait3A_278 : memref<4x4x1024xf32, #tpu.memory_space<hbm>>)
    %dma_wait3A_284 = arith.constant 4 : i32
    %dma_wait3A_285 = arith.constant 4 : i32
    %dma_wait3A_286 = arith.constant 0 : i32
    %dma_wait3A_287 = arith.constant 0 : i32
    %dma_wait3A_288 = arith.constant 0 : i32
    %dma_wait3A_289 = tpu.memref_slice %arg5[%dma_wait3A_284, %dma_wait3A_286, %dma_wait3A_287, %dma_wait3A_288] : memref<6x4x4x1024xf32, #tpu.memory_space<vmem>> -> memref<1x4x4x1024xf32, #tpu.memory_space<vmem>>
    %dma_wait3A_290 = tpu.memref_squeeze %dma_wait3A_289 : memref<1x4x4x1024xf32, #tpu.memory_space<vmem>> -> memref<4x4x1024xf32, #tpu.memory_space<vmem>>
    %dma_wait3A_291 = arith.constant 0 : i32
    %dma_wait3A_292 = arith.constant 0 : i32
    %dma_wait3A_293 = arith.constant 0 : i32
    %dma_wait3A_294 = tpu.memref_slice %arg4[%dma_wait3A_291, %dma_wait3A_292, %dma_wait3A_293] : memref<8192x4x1024xf32, #tpu.memory_space<hbm>> -> memref<4x4x1024xf32, #tpu.memory_space<hbm>>
    %dma_wait3A_295 = tpu.memref_slice %arg9[%dma_wait3A_285] : memref<6x!tpu.dma_semaphore, #tpu.memory_space<semaphore_mem>> -> memref<1x!tpu.dma_semaphore, #tpu.memory_space<semaphore_mem>>
    %dma_wait3A_296 = tpu.memref_squeeze %dma_wait3A_295 : memref<1x!tpu.dma_semaphore, #tpu.memory_space<semaphore_mem>> -> memref<!tpu.dma_semaphore, #tpu.memory_space<semaphore_mem>>
    %dma_wait3A_297 = arith.constant 0 : i32
    %dma_wait3A_298 = arith.constant 0 : i32
    %dma_wait3A_299 = arith.constant 0 : i32
    %dma_wait3A_300 = tpu.memref_slice %arg4[%dma_wait3A_297, %dma_wait3A_298, %dma_wait3A_299] : memref<8192x4x1024xf32, #tpu.memory_space<hbm>> -> memref<4x4x1024xf32, #tpu.memory_space<hbm>>
    %dma_wait3A_301 = arith.constant 0 : i32
    %dma_wait3A_302 = arith.constant 0 : i32
    %dma_wait3A_303 = arith.constant 0 : i32
    %dma_wait3A_304 = tpu.memref_slice %arg5[%dma_wait3A_284, %dma_wait3A_301, %dma_wait3A_302, %dma_wait3A_303] : memref<6x4x4x1024xf32, #tpu.memory_space<vmem>> -> memref<1x4x4x1024xf32, #tpu.memory_space<vmem>>
    %dma_wait3A_305 = tpu.memref_squeeze %dma_wait3A_304 : memref<1x4x4x1024xf32, #tpu.memory_space<vmem>> -> memref<4x4x1024xf32, #tpu.memory_space<vmem>>
    tpu.wait_dma2 semaphore(%dma_wait3A_296 : memref<!tpu.dma_semaphore, #tpu.memory_space<semaphore_mem>>) src(%dma_wait3A_305 : memref<4x4x1024xf32, #tpu.memory_space<vmem>>) dst(%dma_wait3A_300 : memref<4x4x1024xf32, #tpu.memory_space<hbm>>)
    %dma_wait3A_306 = arith.constant 5 : i32
    %dma_wait3A_307 = arith.constant 5 : i32
    %dma_wait3A_308 = arith.constant 0 : i32
    %dma_wait3A_309 = arith.constant 0 : i32
    %dma_wait3A_310 = arith.constant 0 : i32
    %dma_wait3A_311 = tpu.memref_slice %arg5[%dma_wait3A_306, %dma_wait3A_308, %dma_wait3A_309, %dma_wait3A_310] : memref<6x4x4x1024xf32, #tpu.memory_space<vmem>> -> memref<1x4x4x1024xf32, #tpu.memory_space<vmem>>
    %dma_wait3A_312 = tpu.memref_squeeze %dma_wait3A_311 : memref<1x4x4x1024xf32, #tpu.memory_space<vmem>> -> memref<4x4x1024xf32, #tpu.memory_space<vmem>>
    %dma_wait3A_313 = arith.constant 0 : i32
    %dma_wait3A_314 = arith.constant 0 : i32
    %dma_wait3A_315 = arith.constant 0 : i32
    %dma_wait3A_316 = tpu.memref_slice %arg4[%dma_wait3A_313, %dma_wait3A_314, %dma_wait3A_315] : memref<8192x4x1024xf32, #tpu.memory_space<hbm>> -> memref<4x4x1024xf32, #tpu.memory_space<hbm>>
    %dma_wait3A_317 = tpu.memref_slice %arg9[%dma_wait3A_307] : memref<6x!tpu.dma_semaphore, #tpu.memory_space<semaphore_mem>> -> memref<1x!tpu.dma_semaphore, #tpu.memory_space<semaphore_mem>>
    %dma_wait3A_318 = tpu.memref_squeeze %dma_wait3A_317 : memref<1x!tpu.dma_semaphore, #tpu.memory_space<semaphore_mem>> -> memref<!tpu.dma_semaphore, #tpu.memory_space<semaphore_mem>>
    %dma_wait3A_319 = arith.constant 0 : i32
    %dma_wait3A_320 = arith.constant 0 : i32
    %dma_wait3A_321 = arith.constant 0 : i32
    %dma_wait3A_322 = tpu.memref_slice %arg4[%dma_wait3A_319, %dma_wait3A_320, %dma_wait3A_321] : memref<8192x4x1024xf32, #tpu.memory_space<hbm>> -> memref<4x4x1024xf32, #tpu.memory_space<hbm>>
    %dma_wait3A_323 = arith.constant 0 : i32
    %dma_wait3A_324 = arith.constant 0 : i32
    %dma_wait3A_325 = arith.constant 0 : i32
    %dma_wait3A_326 = tpu.memref_slice %arg5[%dma_wait3A_306, %dma_wait3A_323, %dma_wait3A_324, %dma_wait3A_325] : memref<6x4x4x1024xf32, #tpu.memory_space<vmem>> -> memref<1x4x4x1024xf32, #tpu.memory_space<vmem>>
    %dma_wait3A_327 = tpu.memref_squeeze %dma_wait3A_326 : memref<1x4x4x1024xf32, #tpu.memory_space<vmem>> -> memref<4x4x1024xf32, #tpu.memory_space<vmem>>
    tpu.wait_dma2 semaphore(%dma_wait3A_318 : memref<!tpu.dma_semaphore, #tpu.memory_space<semaphore_mem>>) src(%dma_wait3A_327 : memref<4x4x1024xf32, #tpu.memory_space<vmem>>) dst(%dma_wait3A_322 : memref<4x4x1024xf32, #tpu.memory_space<hbm>>)
    return
  }
}

</mosaic_0001>

<sc_bundles>
// kernel: kernel.3.cloned.1.call-start
scs
__scs_entry_jumppad:
0x0: {  	(pc) =	sbr.rel $0x88, $3  }
0x1: {  	(tag) =	ssettag $0x0;
	lr =	simm.s32 $0x1  }
0x2: {  	[smem:$0x3F9F] =	sst lr;
	_ =	strace $0xD0000000  }
0x3: {  	_ = 	snop  }
0x4: {  	_ = 	snop  }
0x5: {  	_ = 	snop  }
0x6: {  	_ = 	snop  }
0x7: {  	_ = 	snop  }
__scs_overlays_trampoline_lowered:
0x8: {  	[smem:$0x3FAE] =	sst s0  }
0x9: {  	[smem:$0x3FAF] =	sst s1  }
0xa: {  	[smem:$0x3FB0] =	sst s2  }
0xb: {  	[smem:$0x3FB1] =	sst s3  }
0xc: {  	[smem:$0x3FB2] =	sst s4  }
0xd: {  	[smem:$0x3FB3] =	sst s5  }
0xe: {  	[smem:$0x3FB4] =	sst s6  }
0xf: {  	[smem:$0x3FB5] =	sst s7  }
0x10: {  	[smem:$0x3FB6] =	sst s8  }
0x11: {  	[smem:$0x3FB7] =	sst s9;
	s0 =	simm.s32 @!p0 $0x0  }
0x12: {  	s1 =	sld [smem:$0x3F9D];
	s0 =	simm.s32 @p0 $0x1  }
0x13: {  	[smem:$0x3FB8] =	sst s0;
	s0 =	simm.s32 @!p1 $0x0  }
0x14: {  	s2 =	sld [smem:$0x3F9C];
	s0 =	simm.s32 @p1 $0x1  }
0x15: {  	[smem:$0x3FB9] =	sst s0;
	s0 =	simm.s32 @!p2 $0x0  }
0x16: {  	s3 =	sld [smem:$0x3FDB];
	s0 =	simm.s32 @p2 $0x1  }
0x17: {  	s4 =	simm.s32 $0x1BF5;
	[smem:$0x3FBB] =	sst s0  }
0x18: {  	s0 =	sld [smem:$0x3F9E];
	_ =	swait.ge [sflag:s4], $0x0  }
0x19: {  	s7 =	sld [smem:$0x3F9F]  }
0x1a: {  	s8 =	sadd.s32 $0xFFFFE003, lr  }
0x1b: {  	s9 =	sadd.s32 $0xFFFFFEF7, lr;
	s5 =	simm.s32 $0xFFFFFFFF;
	p2 =	slt.u32 s8, $0xFFFFF086  }
0x1c: {  	p1 =	slt.u32 s9, $0xF7A;
	s5 =	simm.s32 @!p2 $0x0  }
0x1d: {  	s5 =	simm.s32 @p1 $0x1;
	p0 =	seq.s32 s7, s2  }
0x1e: {  	s7 =	smul.u32 @!p0 $0xF7A, s2;
	p2 =	seq.s32 @!p0 s5, $0x0  }
0x1f: {  	s9 =	smul.u32 $0xF7A, s1;
	s8 =	simm.s32 @!p0 $0x1BF5;
	p2 =	por !p2, p0  }
0x20: {  	[sflag:s8] =	ssyncset.s32 @!p0 $0xFFFFF086;
	s6 =	sadd.s32 @!p0 s3, s7;
	s7 =	simm.s32 @!p0 $0x108  }
0x21: {  	s3 =	sadd.s32 s3, s9;
	s6 =	sadd.s32 @!p0 $0x88, s6;
	s7 =	simm.s32 @p2 $0x1082  }
0x22: {  	[simem:s7], [sflag:s8] =	dma.local @!p0 [hbm:s6], $0xF7A  }
0x23: {  	s9 =	sor.u32 $0xD0000000, s2;
	s6 =	simm.s32 $0x108;
	_ =	swait.ge @!p0 [sflag:s8], $0x0  }
0x24: {  	s3 =	sadd.s32 $0x88, s3;
	s6 =	simm.s32 @!p1 $0x1082;
	[sflag:s4] =	ssyncset.s32 $0xFFFFF086  }
0x25: {  	[simem:s6], [sflag:s4] =	dma.local [hbm:s3], $0xF7A  }
0x26: {  	[smem:$0x3F9F] =	sst s1;
	(tag) =	ssettag s2;
	_ =	strace s9  }
0x27: {  	s1 =	sld [smem:$0x3FAF]  }
0x28: {  	s2 =	sld [smem:$0x3FB0]  }
0x29: {  	s4 =	sld [smem:$0x3FB2]  }
0x2a: {  	p0 =	seq.s32 s5, $0x0;
	s5 =	sld [smem:$0x3FB3]  }
0x2b: {  	s6 =	sld [smem:$0x3FB4]  }
0x2c: {  	s7 =	sld [smem:$0x3FB5]  }
0x2d: {  	s3 =	simm.s32 $0x108;
	s8 =	sld [smem:$0x3FB6]  }
0x2e: {  	s3 =	simm.s32 @!p0 $0x1082;
	s9 =	sld [smem:$0x3FB7]  }
0x2f: {  	lr =	sadd.s32 s0, s3;
	s0 =	sld [smem:$0x3FAE]  }
0x30: {  	s3 =	sld [smem:$0x3FB1]  }
0x31: {  	[smem:$0x3FBA] =	sst s10  }
0x32: {  	s10 =	sld [smem:$0x3FB8];
	_ =	sdelay $0x3  }
0x33: {  	p0 =	seq.s32 s10, $0x1;
	s10 =	sld [smem:$0x3FBA];
	_ =	sdelay $0x3  }
0x34: {  	[smem:$0x3FBA] =	sst s10  }
0x35: {  	s10 =	sld [smem:$0x3FB9];
	_ =	sdelay $0x3  }
0x36: {  	p1 =	seq.s32 s10, $0x1;
	s10 =	sld [smem:$0x3FBA];
	_ =	sdelay $0x3  }
0x37: {  	[smem:$0x3FBA] =	sst s10  }
0x38: {  	s10 =	sld [smem:$0x3FBB]  }
0x39: {  	_ = 	snop;
	(pc) =	sbr.ind lr, $3  }
0x3a: {  	_ = 	snop  }
0x3b: {  	_ = 	snop  }
0x3c: {  	p2 =	seq.s32 s10, $0x1;
	s10 =	sld [smem:$0x3FBA]  }
0x3d: {  	_ =	shalt  }
0x3e: {  	_ =	shalt  }
0x3f: {  	_ =	shalt  }
0x40: {  	_ =	shalt  }
0x41: {  	_ =	shalt  }
0x42: {  	_ =	shalt  }
0x43: {  	_ =	shalt  }
0x44: {  	_ =	shalt  }
0x45: {  	_ =	shalt  }
0x46: {  	_ =	shalt  }
0x47: {  	_ =	shalt  }
0x48: {  	_ =	shalt  }
0x49: {  	_ =	shalt  }
0x4a: {  	_ =	shalt  }
0x4b: {  	_ =	shalt  }
0x4c: {  	_ =	shalt  }
0x4d: {  	_ =	shalt  }
0x4e: {  	_ =	shalt  }
0x4f: {  	_ =	shalt  }
0x50: {  	_ =	shalt  }
0x51: {  	_ =	shalt  }
0x52: {  	_ =	shalt  }
0x53: {  	_ =	shalt  }
0x54: {  	_ =	shalt  }
0x55: {  	_ =	shalt  }
0x56: {  	_ =	shalt  }
0x57: {  	_ =	shalt  }
0x58: {  	_ =	shalt  }
0x59: {  	_ =	shalt  }
0x5a: {  	_ =	shalt  }
0x5b: {  	_ =	shalt  }
0x5c: {  	_ =	shalt  }
0x5d: {  	_ =	shalt  }
0x5e: {  	_ =	shalt  }
0x5f: {  	_ =	shalt  }
0x60: {  	_ =	shalt  }
0x61: {  	_ =	shalt  }
0x62: {  	_ =	shalt  }
0x63: {  	_ =	shalt  }
0x64: {  	_ =	shalt  }
0x65: {  	_ =	shalt  }
0x66: {  	_ =	shalt  }
0x67: {  	_ =	shalt  }
0x68: {  	_ =	shalt  }
0x69: {  	_ =	shalt  }
0x6a: {  	_ =	shalt  }
0x6b: {  	_ =	shalt  }
0x6c: {  	_ =	shalt  }
0x6d: {  	_ =	shalt  }
0x6e: {  	_ =	shalt  }
0x6f: {  	_ =	shalt  }
0x70: {  	_ =	shalt  }
0x71: {  	_ =	shalt  }
0x72: {  	_ =	shalt  }
0x73: {  	_ =	shalt  }
0x74: {  	_ =	shalt  }
0x75: {  	_ =	shalt  }
0x76: {  	_ =	shalt  }
0x77: {  	_ =	shalt  }
0x78: {  	_ =	shalt  }
0x79: {  	_ =	shalt  }
0x7a: {  	_ =	shalt  }
0x7b: {  	_ =	shalt  }
0x7c: {  	_ =	shalt  }
0x7d: {  	_ =	shalt  }
0x7e: {  	_ =	shalt  }
0x7f: {  	_ =	shalt  }
0x80: {  	_ =	shalt  }
0x81: {  	_ =	shalt  }
0x82: {  	_ =	shalt  }
0x83: {  	_ =	shalt  }
0x84: {  	_ =	shalt  }
0x85: {  	_ =	shalt  }
0x86: {  	_ =	shalt  }
0x87: {  	_ =	shalt  }
.Lfunc_end0:
.L_simem_size_0:
called_computation_lowered:
.L_overlay_start_0:
0x88: {  	s2 =	sld [smem:$0x3FD9]  }
0x89: {  	s3 =	sld [smem:$0x3FFE];
	_ =	sdelay $0x1  }
0x8a: {  	s1 =	srdreg.scid  }
0x8b: {  	s0 =	sand.u32 $0x1, s1  }
0x8c: {  	s18 =	sshll.u32 s0, $0xA;
	s2 =	sadd.s32 s3, s2  }
0x8d: {  	s2 =	sadd.s32 s2, s18  }
0x8e: {  	[smem:$0x3FC6] =	sst s2  }
0x8f: {  	_ = 	snop  }
0x90: {  	s2 =	sld [smem:$0x3FC9]  }
0x91: {  	s19 =	sld [smem:$0x3FC8]  }
0x92: {  	s4 =	sld [smem:$0x3FD0];
	(tm) =	ssettm $0x1  }
0x93: {  	s5 =	sld [smem:$0x3FFB];
	_ =	sdelay $0x3  }
0x94: {  	_ =	strace s5  }
0x95: {  	s5 =	sld [smem:$0x3FFC];
	_ =	sdelay $0x3  }
0x96: {  	_ =	strace s5  }
0x97: {  	s5 =	sld [smem:$0x3FFD];
	_ =	sdelay $0x3  }
0x98: {  	_ =	strace s5  }
0x99: {  	_ =	strace $0x8FFFFFFF  }
0x9a: {  	s20 =	sld [smem:$0x3FDB];
	_ =	sdelay $0x1  }
0x9b: {  	s6 =	simm.s32 $_scs_section_size  }
0x9c: {  	s7 =	simm.s32 $_size__tile_overlayer_lowered;
	s8 =	simm.s32 $_tile_overlayer_lowered  }
0x9d: {  	s23 =	simm.s32 $0x1BFF;
	s22 =	sshll.u32 s8, $0x1;
	s5 =	sadd.s32 s6, s20  }
0x9e: {  	s9 =	simm.s32 $0x0;
	s21 =	sshll.u32 s7, $0x1;
	s7 =	sadd.s32 s22, s5  }
0x9f: {  	[timem:s9], [sflag:s23] =	dma.local [hbm:s7], s21  }
0xa0: {  	_ =	swait.ge [sflag:s23], s21  }
0xa1: {  	s6 =	ssub.s32 $0x0, s21;
	[sflag:s23] =	ssyncset.done $0x0  }
0xa2: {  	[sflag:s23] =	ssyncadd.s32 s6;
	_ =	sdelay $0x1  }
0xa3: {  	s24 =	simm.s32 $0x1B8B  }
0xa4: {  	_ =	swait.ge [sflag:s24], $0x1  }
0xa5: {  	[sflag:s24] =	ssyncset.done $0x0  }
0xa6: {  	s25 =	simm.s32 $0x1B8E;
	[sflag:s24] =	ssyncadd.s32 $0xFFFFFFFF  }
0xa7: {  	s26 =	simm.s32 $execute0_lowered;
	[smem:$0x3FD2] =	sst s25  }
0xa8: {  	s6 =	sshll.u32 s26, $0x1;
	_ =	strace $0x80000046;
	[dreg:$0x1] =	wrdreg $0xFFFFFFFF  }
0xa9: {  	s28 =	simm.s32 $_size_execute0_lowered;
	s5 =	sadd.s32 s5, s6;
	[dreg:$0x0] =	wrdreg $0x0  }
0xaa: {  	s6 =	sshll.u32 s28, $0x1;
	[dreg:$0x2] =	wrdreg s5  }
0xab: {  	[dreg:$0x3] =	wrdreg s6  }
0xac: {  	[dreg:$0x4] =	wrdreg $0xC0  }
0xad: {  	_ =	task [dreg:s9], $0x5FFFF  }
0xae: {  	[dreg:$0x1] =	wrdreg $0xFFFFFFFF  }
0xaf: {  	[dreg:$0x0] =	wrdreg $0x60  }
0xb0: {  	[dreg:$0x2] =	wrdreg s2  }
0xb1: {  	[dreg:$0x3] =	wrdreg s19  }
0xb2: {  	[dreg:$0x4] =	wrdreg s4  }
0xb3: {  	[dreg:$0x5] =	wrdreg $0x9  }
0xb4: {  	_ =	task.clear_ibuf [dreg:s9], $0x6FFFF;
	_ =	strace $0x90000046  }
0xb5: {  	s29 =	simm.s32 $0x9;
	_ =	strace $0x80000048  }
0xb6: {  	_ =	swait.ge [sflag:s29], $0x1  }
0xb7: {  	[sflag:s29] =	ssyncadd.s32 $0xFFFFFFFF  }
0xb8: {  	_ =	strace $0x90000048  }
0xb9: {  	_ =	sfence  }
0xba: {  	s30 =	sld [smem:$0x0];
	_ =	sdelay $0x2  }
0xbb: {  	s31 =	sshll.u32 s1, $0xD;
	s1 =	sshrl.u32 s1, $0x2  }
0xbc: {  	s3 =	sand.u32 $0x4000, s31;
	s1 =	sadd.s32 s1, s30  }
0xbd: {  	s0 =	sor.u32 s3, s0;
	s1 =	sshll.u32 s1, $0x11  }
0xbe: {  	s0 =	sor.u32 s1, s0  }
0xbf: {  	s0 =	sadd.s32 $0x8F2B, s0  }
0xc0: {  	[sflag:s0] =	ssyncadd.remote.s32 $0x1  }
0xc1: {  	_ =	sfence.sel $0xFFFF  }
0xc2: {  	[dreg:$0x0] =	wrdreg $0xFFFFFFFF;
	(pc) =	sbr.abs _section_cstart, $3  }
0xc3: {  	[dreg:$0x1] =	wrdreg $0xFFFFFFFF  }
0xc4: {  	_ =	task.clear_ibuf [dreg:s9], $0x2FFFF;
	_ =	strace $0x9FFFFFFF  }
0xc5: {  	(tm) =	ssettm $0x7FFFFFFF  }
tec
execute0_lowered:
.L_overlay_start_1:
0x0: {  	(tag) =	ssettag $0x1  }
0x1: {  	s6 =	rddreg [dreg:$0x0]  }
0x2: {  	s7 =	rddreg [dreg:$0x1]  }
0x3: {  	s0 =	rddreg [dreg:$0x2]  }
0x4: {  	s1 =	srdreg.scid;
	s2 =	stileid.u32  }
0x5: {  	s4 =	simm.s32 $0x0;
	s31 =	simm.s32 $0x1;
	s1 =	sand.u32 $0x1, s1  }
0x6: {  	s2 =	sshll.u32 s2, $0x9;
	[smem:$0x7FF] =	sst s4;
	s19 =	sadd.s32 $0x40, s7  }
0x7: {  	s3 =	sshll.u32 s1, $0x8;
	s1 =	ssub.s32 $0x2, s1;
	_ =	strace $0x80000047  }
0x8: {  	[dreg:$0x4] =	wrdreg s31;
	s8 =	sor.u32 s3, s2;
	s16 =	sshrl.u32 s1, $0x1  }
0x9: {  	s3 =	sshll.u32 s8, $0x9;
	s1 =	ssub.s32 s1, s16;
	s17 =	sshll.u32 s8, $0x7  }
0xa: {  	s5 =	sor.u32 $0x8, s8;
	[dreg:$0x1d] =	wrdreg s8;
	s18 =	sadd.s32 s7, s17  }
0xb: {  	s22 =	sor.u32 $0xC, s8;
	s9 =	sadd.s32 s6, s3;
	[dreg:$0x1f] =	wrdreg s18  }
0xc: {  	s25 =	sor.u32 $0x10, s8;
	s2 =	sadd.s32 s17, s19;
	[dreg:$0x1e] =	wrdreg s9  }
0xd: {  	s20 =	sshll.u32 s5, $0x9;
	s0 =	sadd.s32 s0, s3;
	[smem:$0x7F5] =	sst s2  }
0xe: {  	s21 =	sshll.u32 s5, $0x7;
	s30 =	smax.u32 s1, $0x1;
	[smem:$0x7FC] =	sst s0  }
0xf: {  	s23 =	sshll.u32 s22, $0x9;
	s9 =	sadd.s32 $0x800, s9;
	[smem:$0x7FD] =	sst s30  }
0x10: {  	s28 =	sshll.u32 s25, $0x7;
	s2 =	sadd.s32 s6, s20;
	[smem:$0x7F4] =	sst s9  }
0x11: {  	s5 =	sshll.u32 s22, $0x7;
	s29 =	sadd.s32 s7, s28;
	[smem:$0x7F6] =	sst s2  }
.Ltmp0:
0x12: {  	s2 =	sadd.s32 s7, s21;
	[smem:$0x7FB] =	sst s29;
	(pc) =	sbr.rel .LBB2_1-.Ltmp0, $4  }
0x13: {  	s24 =	sand.u32 $0xF8400, s5;
	[smem:$0x7F7] =	sst s2;
	s2 =	sadd.s32 s6, s23  }
0x14: {  	s26 =	sshll.u32 s25, $0x9;
	[smem:$0x7F8] =	sst s2;
	s2 =	sadd.s32 s24, s19  }
0x15: {  	[smem:$0x7F9] =	sst s2;
	s2 =	sadd.s32 s6, s26  }
0x16: {  	[smem:$0x7FA] =	sst s2;
	s2 =	simm.s32 $0x0  }
.LBB2_9:
0x17: {  	s0 =	simm.s32 $0xD  }
0x18: {  	_ =	swait.ge [sflag:s0], $0x4000  }
0x19: {  	[sflag:s0] =	ssyncset.done $0x0  }
0x1a: {  	s26 =	simm.s32 $0xE;
	[sflag:s0] =	ssyncadd.s32 $0xFFFFC000  }
0x1b: {  	_ =	swait.ge [sflag:s26], $0x4000  }
0x1c: {  	[sflag:s26] =	ssyncset.done $0x0  }
0x1d: {  	s28 =	simm.s32 $0xF;
	[sflag:s26] =	ssyncadd.s32 $0xFFFFC000  }
0x1e: {  	_ =	swait.ge [sflag:s28], $0x4000  }
0x1f: {  	[sflag:s28] =	ssyncset.done $0x0  }
0x20: {  	s29 =	simm.s32 $0x10;
	[sflag:s28] =	ssyncadd.s32 $0xFFFFC000  }
0x21: {  	_ =	swait.ge [sflag:s29], $0x4000  }
0x22: {  	[sflag:s29] =	ssyncset.done $0x0  }
0x23: {  	s30 =	simm.s32 $0x11;
	[sflag:s29] =	ssyncadd.s32 $0xFFFFC000  }
0x24: {  	_ =	swait.ge [sflag:s30], $0x4000  }
0x25: {  	[sflag:s30] =	ssyncset.done $0x0  }
0x26: {  	s1 =	simm.s32 $0x12;
	[sflag:s30] =	ssyncadd.s32 $0xFFFFC000  }
0x27: {  	_ =	swait.ge [sflag:s1], $0x4000  }
0x28: {  	s2 =	sld [smem:$0x7F3]  }
0x29: {  	s31 =	sld [smem:$0x7FD];
	_ =	sdelay $0x1  }
0x2a: {  	s2 =	sadd.s32 $0x1, s2  }
0x2b: {  	p0 =	sne.s32 s2, s31  }
.Ltmp1:
0x2c: {  	_ = 	snop;
	(pc) =	sbr.rel @!p0 .LBB2_10-.Ltmp1, $3  }
0x2d: {  	_ =	sdelay $0x1  }
0x2e: {  	[sflag:s1] =	ssyncset.done $0x0  }
0x2f: {  	[sflag:s1] =	ssyncadd.s32 $0xFFFFC000  }
.LBB2_1:
0x30: {  	s1 =	rddreg [dreg:$0x1e]  }
0x31: {  	s0 =	simm.s32 $0x0;
	s13 =	rddreg [dreg:$0x1f];
	s14 =	simm.s32 $0x200  }
0x32: {  	[tilespmem:s0], [sflag:$0x1] =	stream.linear.gather [hbm4b:s1+s0], $0x4000, $0x38;
	[tilespmem:$0x1E000] =	vst v63  }
0x33: {  	s3 =	simm.s32 $0x400;
	s4 =	simm.s32 $0x18000;
	s15 =	sld [smem:$0x7F4]  }
0x34: {  	[tilespmem:s4], [sflag:$0x7] =	stream.strided.gather [hbm4b:s13+s14], $0x1000, s3, s14, $0x38;
	[tilespmem:$0x1E000] =	vst v63  }
0x35: {  	s16 =	simm.s32 $0x4000;
	s17 =	sld [smem:$0x7F5]  }
0x36: {  	[tilespmem:s16], [sflag:$0x2] =	stream.linear.gather [hbm4b:s15+s0], $0x4000, $0x38;
	[tilespmem:$0x1E000] =	vst v63  }
0x37: {  	s18 =	simm.s32 $0x19000;
	s19 =	sld [smem:$0x7F6]  }
0x38: {  	[tilespmem:s18], [sflag:$0x8] =	stream.strided.gather [hbm4b:s17+s14], $0x1000, s3, s14, $0x38;
	[tilespmem:$0x1E000] =	vst v63  }
0x39: {  	s20 =	simm.s32 $0x8000;
	s21 =	sld [smem:$0x7F7]  }
0x3a: {  	[tilespmem:s20], [sflag:$0x3] =	stream.linear.gather [hbm4b:s19+s0], $0x4000, $0x38;
	[tilespmem:$0x1E000] =	vst v63  }
0x3b: {  	s22 =	simm.s32 $0x1A000;
	s23 =	sld [smem:$0x7F8]  }
0x3c: {  	[tilespmem:s22], [sflag:$0x9] =	stream.strided.gather [hbm4b:s21+s14], $0x1000, s3, s14, $0x38;
	[tilespmem:$0x1E000] =	vst v63  }
0x3d: {  	s24 =	simm.s32 $0xC000;
	s25 =	sld [smem:$0x7F9]  }
0x3e: {  	[tilespmem:s24], [sflag:$0x4] =	stream.linear.gather [hbm4b:s23+s0], $0x4000, $0x38;
	[tilespmem:$0x1E000] =	vst v63  }
0x3f: {  	s26 =	simm.s32 $0x1B000;
	s28 =	sld [smem:$0x7FA]  }
0x40: {  	[tilespmem:s26], [sflag:$0xA] =	stream.strided.gather [hbm4b:s25+s14], $0x1000, s3, s14, $0x38;
	[tilespmem:$0x1E000] =	vst v63  }
.Ltmp2:
0x41: {  	_ = 	snop;
	(pc) =	sbr.rel .LBB2_2-.Ltmp2, $4  }
0x42: {  	s29 =	simm.s32 $0x10000;
	s30 =	sld [smem:$0x7FB]  }
0x43: {  	[tilespmem:s29], [sflag:$0x5] =	stream.linear.gather [hbm4b:s28+s0], $0x4000, $0x38;
	[tilespmem:$0x1E000] =	vst v63  }
0x44: {  	[smem:$0x7F3] =	sst s2;
	s31 =	simm.s32 $0x1C000;
	s7 =	simm.s32 $0x0  }
0x45: {  	[tilespmem:s31], [sflag:$0xB] =	stream.strided.gather [hbm4b:s30+s14], $0x1000, s3, s14, $0x38;
	[tilespmem:$0x1E000] =	vst v63  }
.LBB2_5:
0x46: {  	s2 =	sadd.s32 $0xD, s1  }
0x47: {  	_ =	swait.ge [sflag:s2], $0x4000  }
0x48: {  	[sflag:s2] =	ssyncset.done $0x0  }
0x49: {  	[sflag:s2] =	ssyncadd.s32 $0xFFFFC000  }
.LBB2_7:
0x4a: {  	s2 =	sshll.u32 s0, $0x2;
	s3 =	rddreg [dreg:$0x1d];
	s4 =	sshll.u32 s1, $0xE  }
0x4b: {  	s5 =	sadd.s32 $0x1, s1;
	s6 =	rddreg [dreg:$0x0];
	s24 =	simm.s32 $0x0  }
0x4c: {  	s25 =	sshll.u32 s0, $0x6;
	s26 =	sshll.u32 s1, $0xC;
	s28 =	rddreg [dreg:$0x1]  }
0x4d: {  	s29 =	sadd.s32 $0x7, s1;
	s30 =	simm.s32 $0x200;
	s2 =	sadd.s32 s3, s2  }
0x4e: {  	s0 =	sand.u32 $0x40, s25;
	s3 =	sshll.u32 s2, $0x9;
	s2 =	sshll.u32 s2, $0x7  }
0x4f: {  	s0 =	sadd.s32 s28, s0;
	s3 =	sadd.s32 s6, s3;
	s2 =	sand.u32 $0x1FFC00, s2  }
0x50: {  	[tilespmem:s4], [sflag:s5] =	stream.linear.gather [hbm4b:s3+s24], $0x4000, $0x38;
	[tilespmem:$0x1E000] =	vst v63  }
0x51: {  	s31 =	simm.s32 $0x400;
	s3 =	sadd.s32 $0x18000, s26;
	s0 =	sadd.s32 s2, s0  }
0x52: {  	[tilespmem:s3], [sflag:s29] =	stream.strided.gather [hbm4b:s0+s30], $0x1000, s31, s30, $0x38;
	[tilespmem:$0x1E000] =	vst v63  }
.LBB2_8:
0x53: {  	s7 =	sadd.s32 $0x1, s7  }
0x54: {  	p0 =	sne.s32 s7, $0x40  }
.Ltmp3:
0x55: {  	_ = 	snop;
	(pc) =	sbr.rel @!p0 .LBB2_9-.Ltmp3, $1  }
0x56: {  	_ =	sdelay $0x3  }
.LBB2_2:
0x57: {  	s0 =	smul.u32 $0xAB, s7;
	_ =	sdelay $0x1  }
0x58: {  	s0 =	sshrl.u32 s0, $0xA  }
0x59: {  	s0 =	sand.u32 $0x3F, s0  }
0x5a: {  	s0 =	smul.u32 $0x6, s0;
	_ =	sdelay $0x1  }
0x5b: {  	s0 =	ssub.s32 s7, s0  }
0x5c: {  	s2 =	sand.u32 $0xFF, s0  }
0x5d: {  	[smem:$0x7F0] =	sst s7;
	s0 =	sadd.s32 $0x1, s2;
	s1 =	sshll.u32 s2, $0xC  }
0x5e: {  	_ =	swait.ge [sflag:s0], $0x4000;
	s1 =	sor.u32 $0x18000, s1  }
0x5f: {  	s31 =	simm.s32 $0x0;
	s18 =	sshll.u32 s2, $0xE;
	[sflag:s0] =	ssyncset.done $0x0;
	v0 =	vmov s1  }
0x60: {  	s20 =	sadd.s32 $0x7, s2;
	v1 =	vmov s18;
	[smem:$0x7F1] =	sst s2;
	[sflag:s0] =	ssyncadd.s32 $0xFFFFC000  }
0x61: {  	s0 =	sand.u32 $0x40, s31;
	_ =	swait.ge [sflag:s20], $0x1000  }
0x62: {  	s3 =	sand.u32 $0xE00, s31;
	s2 =	sor.u32 $0x30, s0;
	[sflag:s20] =	ssyncset.done $0x0  }
0x63: {  	s21 =	sor.u32 s3, s2;
	[sflag:s20] =	ssyncadd.s32 $0xFFFFF000  }
0x64: {  	s4 =	sor.u32 $0x10, s0;
	v2 =	vld.idx.msk [tilespmem:v0+s21+$0x0 ss:$0x1], $0xffff  }
0x65: {  	s22 =	sor.u32 s3, s4;
	s15 =	sor.u32 $0x80, s21;
	v3 =	vld.idx.msk [tilespmem:v1+s21+$0x0 ss:$0x1], $0xffff  }
0x66: {  	s6 =	sor.u32 $0x80, s22;
	v4 =	vld.idx.msk [tilespmem:v1+s15+$0x0 ss:$0x1], $0xffff  }
0x67: {  	v5 =	vld.idx.msk [tilespmem:v1+s6+$0x0 ss:$0x1], $0xffff  }
0x68: {  	p0 =	por $0x0, $0x0;
	s5 =	rddreg [dreg:$0x4];
	v6 =	vld.idx.msk [tilespmem:v0+s22+$0x0 ss:$0x1], $0xffff  }
0x69: {  	s5 =	simm.s32 @!p0 $0x0  }
0x6a: {  	s16 =	sor.u32 s0, s3;
	s5 =	sshll.u32 s5, $0x6;
	v7 =	vld.idx.msk [tilespmem:v1+s22+$0x0 ss:$0x1], $0xffff;
	v3 =	vadd.f32 v3, v2  }
0x6b: {  	s9 =	sor.u32 $0x80, s16;
	s14 =	sadd.s32 $0x0, s5;
	s5 =	sor.u32 $0x20, s0;
	v4 =	vadd.f32 v4, v2  }
0x6c: {  	v8 =	vld.idx.msk [tilespmem:v1+s9+$0x0 ss:$0x1], $0xffff;
	s23 =	sadd.s32 $0x30, s14;
	s10 =	sor.u32 s3, s5;
	[tilespmem:v1+s21+$0x0 ss:$0x1] =	vst.idx.msk $0xffff, v3  }
0x6d: {  	s13 =	sor.u32 $0x100, s23;
	v9 =	vld.idx.msk [tilespmem:v0+s10+$0x0 ss:$0x1], $0xffff;
	v5 =	vadd.f32 v5, v6;
	[tilespmem:v1+s15+$0x0 ss:$0x1] =	vst.idx.msk $0xffff, v4  }
0x6e: {  	v3 =	vld.idx.msk [tilespmem:v1+s13+$0x0 ss:$0x1], $0xffff  }
0x6f: {  	s12 =	sor.u32 $0x80, s10;
	v7 =	vadd.f32 v7, v6;
	[tilespmem:v1+s6+$0x0 ss:$0x1] =	vst.idx.msk $0xffff, v5;
	v5 =	vld.idx.msk [tilespmem:v0+s16+$0x0 ss:$0x1], $0xffff  }
0x70: {  	s17 =	sadd.s32 $0x10, s14;
	v4 =	vld.idx.msk [tilespmem:v1+s12+$0x0 ss:$0x1], $0xffff  }
0x71: {  	v10 =	vld.idx.msk [tilespmem:v1+s10+$0x0 ss:$0x1], $0xffff;
	s8 =	sor.u32 $0x100, s17;
	[tilespmem:v1+s22+$0x0 ss:$0x1] =	vst.idx.msk $0xffff, v7  }
0x72: {  	v7 =	vld.idx.msk [tilespmem:v1+s8+$0x0 ss:$0x1], $0xffff  }
0x73: {  	v11 =	vld.idx.msk [tilespmem:v1+s16+$0x0 ss:$0x1], $0xffff;
	v3 =	vadd.f32 v3, v2  }
0x74: {  	v8 =	vadd.f32 v8, v5  }
0x75: {  	s11 =	sor.u32 $0x180, s23;
	[tilespmem:v1+s13+$0x0 ss:$0x1] =	vst.idx.msk $0xffff, v3;
	v3 =	vadd.f32 v4, v9  }
0x76: {  	v10 =	vadd.f32 v10, v9;
	[tilespmem:v1+s9+$0x0 ss:$0x1] =	vst.idx.msk $0xffff, v8;
	v4 =	vld.idx.msk [tilespmem:v1+s11+$0x0 ss:$0x1], $0xffff  }
0x77: {  	[tilespmem:v1+s12+$0x0 ss:$0x1] =	vst.idx.msk $0xffff, v3;
	v3 =	vadd.f32 v7, v6  }
0x78: {  	s21 =	sadd.s32 $0x20, s14;
	v7 =	vadd.f32 v11, v5;
	[tilespmem:v1+s10+$0x0 ss:$0x1] =	vst.idx.msk $0xffff, v10  }
0x79: {  	s10 =	sor.u32 $0x100, s21;
	[tilespmem:v1+s8+$0x0 ss:$0x1] =	vst.idx.msk $0xffff, v3  }
0x7a: {  	s24 =	sor.u32 $0x180, s17;
	v8 =	vld.idx.msk [tilespmem:v1+s10+$0x0 ss:$0x1], $0xffff;
	[tilespmem:v1+s16+$0x0 ss:$0x1] =	vst.idx.msk $0xffff, v7  }
0x7b: {  	v3 =	vld.idx.msk [tilespmem:v1+s24+$0x0 ss:$0x1], $0xffff;
	[smem:$0x7F2] =	sst s24;
	v2 =	vadd.f32 v4, v2  }
0x7c: {  	s1 =	sor.u32 $0x100, s14;
	s3 =	sadd.s32 s3, s18;
	[dreg:$0x5] =	wrdreg s18  }
0x7d: {  	s20 =	sadd.s32 $0x1000, s3;
	v4 =	vld.idx.msk [tilespmem:v1+s1+$0x0 ss:$0x1], $0xffff;
	[tilespmem:v1+s11+$0x0 ss:$0x1] =	vst.idx.msk $0xffff, v2  }
0x7e: {  	s19 =	sadd.s32 $0x1080, s3;
	s25 =	sadd.s32 s2, s20;
	v2 =	vld.idx.msk [tilespmem:v0+s15+$0x0 ss:$0x1], $0xffff  }
0x7f: {  	s17 =	sadd.s32 $0x1100, s3;
	s26 =	sadd.s32 s2, s19;
	v7 =	vld [tilespmem:s25+$0x0]  }
0x80: {  	s22 =	sadd.s32 s2, s17;
	s18 =	sadd.s32 $0x1180, s3;
	v10 =	vld [tilespmem:s26+$0x0]  }
0x81: {  	s23 =	sadd.s32 s2, s18;
	v3 =	vadd.f32 v3, v6;
	v6 =	vld [tilespmem:s22+$0x0]  }
0x82: {  	v8 =	vadd.f32 v8, v9;
	v11 =	vld [tilespmem:s23+$0x0]  }
0x83: {  	v4 =	vadd.f32 v4, v5;
	[tilespmem:v1+s24+$0x0 ss:$0x1] =	vst.idx.msk $0xffff, v3  }
0x84: {  	[tilespmem:v1+s10+$0x0 ss:$0x1] =	vst.idx.msk $0xffff, v8;
	v3 =	vld.idx.msk [tilespmem:v0+s6+$0x0 ss:$0x1], $0xffff;
	s6 =	sor.u32 $0x180, s21;
	v7 =	vadd.f32 v7, v2  }
0x85: {  	s7 =	sor.u32 $0x180, s14;
	[tilespmem:v1+s1+$0x0 ss:$0x1] =	vst.idx.msk $0xffff, v4;
	v8 =	vld.idx.msk [tilespmem:v1+s6+$0x0 ss:$0x1], $0xffff;
	v4 =	vadd.f32 v10, v2  }
0x86: {  	s21 =	sadd.s32 s4, s20;
	v6 =	vadd.f32 v6, v2;
	[tilespmem:s25+$0x0] =	vst v7;
	v7 =	vld.idx.msk [tilespmem:v1+s7+$0x0 ss:$0x1], $0xffff  }
0x87: {  	s24 =	sadd.s32 s4, s19;
	v2 =	vadd.f32 v11, v2;
	[tilespmem:s26+$0x0] =	vst v4;
	v4 =	vld [tilespmem:s21+$0x0]  }
0x88: {  	[tilespmem:s22+$0x0] =	vst v6;
	s22 =	sadd.s32 s4, s17;
	v6 =	vld [tilespmem:s24+$0x0]  }
0x89: {  	s16 =	sadd.s32 $0x2000, s3;
	v10 =	vld [tilespmem:s22+$0x0];
	[tilespmem:s23+$0x0] =	vst v2  }
0x8a: {  	s30 =	sadd.s32 s2, s16;
	v2 =	vld.idx.msk [tilespmem:v0+s13+$0x0 ss:$0x1], $0xffff  }
0x8b: {  	s14 =	sadd.s32 $0x2080, s3;
	s28 =	sadd.s32 s4, s18;
	v11 =	vld [tilespmem:s30+$0x0]  }
0x8c: {  	s25 =	sadd.s32 s2, s14;
	v8 =	vadd.f32 v8, v9;
	v9 =	vld [tilespmem:s28+$0x0];
	s13 =	sadd.s32 $0x2100, s3  }
0x8d: {  	v12 =	vld [tilespmem:s25+$0x0];
	s26 =	sadd.s32 s2, s13;
	v4 =	vadd.f32 v4, v3  }
0x8e: {  	s15 =	sadd.s32 $0x2180, s3;
	s23 =	sadd.s32 s5, s19;
	[tilespmem:v1+s6+$0x0 ss:$0x1] =	vst.idx.msk $0xffff, v8;
	v5 =	vadd.f32 v7, v5;
	v13 =	vld [tilespmem:s26+$0x0]  }
0x8f: {  	s29 =	sadd.s32 s2, s15;
	v7 =	vld [tilespmem:s23+$0x0];
	[tilespmem:s21+$0x0] =	vst v4;
	v4 =	vadd.f32 v6, v3  }
0x90: {  	[tilespmem:v1+s7+$0x0 ss:$0x1] =	vst.idx.msk $0xffff, v5;
	v6 =	vld [tilespmem:s29+$0x0];
	v8 =	vadd.f32 v11, v2  }
0x91: {  	v5 =	vadd.f32 v10, v3;
	v10 =	vld.idx.msk [tilespmem:v0+s9+$0x0 ss:$0x1], $0xffff;
	[tilespmem:s24+$0x0] =	vst v4  }
0x92: {  	s21 =	sadd.s32 s5, s20;
	v11 =	vadd.f32 v12, v2;
	v4 =	vld.idx.msk [tilespmem:v0+s12+$0x0 ss:$0x1], $0xffff;
	[tilespmem:s30+$0x0] =	vst v8  }
0x93: {  	v3 =	vadd.f32 v9, v3;
	s24 =	sadd.s32 s5, s17;
	v8 =	vld [tilespmem:s21+$0x0];
	[tilespmem:s22+$0x0] =	vst v5  }
0x94: {  	s17 =	sadd.s32 s0, s17;
	v60 =	vadd.f32 v13, v2;
	[tilespmem:s25+$0x0] =	vst v11;
	v11 =	vld [tilespmem:s24+$0x0]  }
0x95: {  	v9 =	vld [tilespmem:s17+$0x0];
	s25 =	sadd.s32 s5, s18;
	[tilespmem:s28+$0x0] =	vst v3;
	v2 =	vadd.f32 v6, v2  }
0x96: {  	[tilespmem:s26+$0x0] =	vst v60;
	v6 =	vld [tilespmem:s25+$0x0];
	s26 =	sadd.s32 s0, s20  }
0x97: {  	v3 =	vld [tilespmem:s26+$0x0];
	[tilespmem:s29+$0x0] =	vst v2  }
0x98: {  	s22 =	sadd.s32 s4, s14;
	v2 =	vld.idx.msk [tilespmem:v0+s11+$0x0 ss:$0x1], $0xffff;
	v5 =	vadd.f32 v8, v4  }
0x99: {  	s30 =	sadd.s32 s0, s19;
	v8 =	vadd.f32 v11, v4;
	v11 =	vld [tilespmem:s22+$0x0]  }
0x9a: {  	s19 =	sadd.s32 s0, s18;
	v7 =	vadd.f32 v7, v4;
	[tilespmem:s21+$0x0] =	vst v5;
	v5 =	vld [tilespmem:s30+$0x0]  }
0x9b: {  	v4 =	vadd.f32 v6, v4;
	v6 =	vld [tilespmem:s19+$0x0]  }
0x9c: {  	s20 =	sadd.s32 s4, s16;
	[tilespmem:s23+$0x0] =	vst v7;
	v7 =	vld.idx.msk [tilespmem:v0+s8+$0x0 ss:$0x1], $0xffff  }
0x9d: {  	s23 =	sadd.s32 s4, s13;
	v3 =	vadd.f32 v3, v10;
	[tilespmem:s24+$0x0] =	vst v8;
	v8 =	vld [tilespmem:s20+$0x0]  }
0x9e: {  	s24 =	sadd.s32 s4, s15;
	v61 =	vld [tilespmem:s23+$0x0];
	[tilespmem:s25+$0x0] =	vst v4  }
0x9f: {  	[tilespmem:s26+$0x0] =	vst v3;
	v3 =	vadd.f32 v9, v10;
	v9 =	vld [tilespmem:s24+$0x0];
	v5 =	vadd.f32 v5, v10  }
0xa0: {  	s25 =	sadd.s32 s5, s16;
	v4 =	vld.idx.msk [tilespmem:v0+s10+$0x0 ss:$0x1], $0xffff  }
0xa1: {  	s26 =	sadd.s32 s5, s14;
	[tilespmem:s30+$0x0] =	vst v5;
	v5 =	vadd.f32 v6, v10;
	v6 =	vld [tilespmem:s25+$0x0]  }
0xa2: {  	s30 =	sadd.s32 s5, s13;
	[tilespmem:s17+$0x0] =	vst v3;
	v3 =	vadd.f32 v8, v7;
	v8 =	vld [tilespmem:s26+$0x0]  }
0xa3: {  	s21 =	sadd.s32 s5, s15;
	s17 =	sadd.s32 $0x3180, s3;
	v10 =	vld [tilespmem:s30+$0x0];
	[tilespmem:s19+$0x0] =	vst v5;
	v5 =	vadd.f32 v11, v7  }
0xa4: {  	s8 =	sadd.s32 s2, s17;
	v11 =	vld [tilespmem:s21+$0x0];
	[tilespmem:s20+$0x0] =	vst v3;
	v3 =	vadd.f32 v61, v7  }
0xa5: {  	v62 =	vld [tilespmem:s8+$0x0];
	[tilespmem:s22+$0x0] =	vst v5;
	v5 =	vadd.f32 v9, v7  }
0xa6: {  	s10 =	sadd.s32 s0, s16;
	s16 =	sadd.s32 s0, s14;
	v63 =	vld.idx.msk [tilespmem:v0+s1+$0x0 ss:$0x1], $0xffff;
	[tilespmem:s23+$0x0] =	vst v3;
	v3 =	vadd.f32 v6, v4  }
0xa7: {  	v7 =	vld [tilespmem:s16+$0x0];
	[tilespmem:s24+$0x0] =	vst v5;
	v5 =	vadd.f32 v8, v4  }
0xa8: {  	v6 =	vld [tilespmem:s10+$0x0];
	[tilespmem:s25+$0x0] =	vst v3;
	v3 =	vadd.f32 v10, v4  }
0xa9: {  	s18 =	sadd.s32 $0x3000, s3;
	s22 =	sadd.s32 $0x3100, s3;
	s24 =	sadd.s32 s0, s13;
	[tilespmem:s26+$0x0] =	vst v5  }
0xaa: {  	s28 =	sadd.s32 s5, s18;
	s23 =	sadd.s32 s0, s15;
	v8 =	vld [tilespmem:s24+$0x0];
	s26 =	sadd.s32 s0, s22;
	[tilespmem:s30+$0x0] =	vst v3;
	v3 =	vadd.f32 v62, v2  }
0xab: {  	s20 =	sadd.s32 $0x3080, s3;
	v4 =	vadd.f32 v11, v4;
	v10 =	vld [tilespmem:s23+$0x0];
	s25 =	sadd.s32 s4, s18;
	[dreg:$0x9] =	wrdreg s26  }
0xac: {  	s29 =	sadd.s32 s4, s17;
	s3 =	sadd.s32 s4, s20;
	s30 =	sld [smem:$0x7F2];
	[tilespmem:s8+$0x0] =	vst v3;
	v3 =	vld [tilespmem:s25+$0x0]  }
0xad: {  	s1 =	simm.s32 $0x0;
	s19 =	sadd.s32 s0, s20;
	s14 =	sadd.s32 s2, s20;
	v11 =	vadd.f32 v7, v63;
	v6 =	vadd.f32 v6, v63;
	[tilespmem:s21+$0x0] =	vst v4;
	v7 =	vld [tilespmem:s3+$0x0]  }
0xae: {  	s15 =	sadd.s32 s0, s18;
	s12 =	sadd.s32 s4, s22;
	s13 =	sadd.s32 s2, s22;
	v4 =	vld.idx.msk [tilespmem:v0+s6+$0x0 ss:$0x1], $0xffff  }
0xaf: {  	s18 =	sadd.s32 s2, s18;
	s26 =	sadd.s32 s5, s22;
	s21 =	sadd.s32 s5, s20;
	[tilespmem:s10+$0x0] =	vst v6;
	v6 =	vld [tilespmem:s12+$0x0]  }
0xb0: {  	s5 =	sadd.s32 s5, s17;
	s10 =	sadd.s32 s0, s17;
	v9 =	vadd.f32 v8, v63;
	v8 =	vadd.f32 v10, v63;
	s0 =	simm.s32 $0x40;
	v5 =	vld.idx.msk [tilespmem:v0+s30+$0x0 ss:$0x1], $0xffff;
	[tilespmem:s16+$0x0] =	vst v11  }
.LBB2_3:
0xb1: {  	v10 =	vld [tilespmem:s28+$0x0]  }
0xb2: {  	s30 =	sand.u32 $0x40, s0;
	s31 =	sadd.s32 $0x100, s31;
	v16 =	vld [tilespmem:s21+$0x0]  }
0xb3: {  	[dreg:$0x8] =	wrdreg s0;
	[tilespmem:s24+$0x0] =	vst v9;
	v9 =	vld [tilespmem:s29+$0x0];
	s6 =	sand.u32 $0xE00, s31;
	s0 =	sor.u32 $0x30, s30  }
0xb4: {  	v52 =	vld [tilespmem:s5+$0x0];
	s11 =	sor.u32 s6, s0  }
0xb5: {  	[tilespmem:s23+$0x0] =	vst v8;
	v11 =	vld.idx.msk [tilespmem:v0+s11+$0x0 ss:$0x1], $0xffff;
	v8 =	vadd.f32 v3, v5  }
0xb6: {  	v3 =	vld.idx.msk [tilespmem:v0+s7+$0x0 ss:$0x1], $0xffff;
	v7 =	vadd.f32 v7, v5  }
0xb7: {  	s2 =	sor.u32 $0x10, s30;
	s7 =	sor.u32 $0x80, s11;
	v6 =	vadd.f32 v6, v5;
	[tilespmem:s25+$0x0] =	vst v8;
	v8 =	vld.idx.msk [tilespmem:v1+s11+$0x0 ss:$0x1], $0xffff  }
0xb8: {  	s4 =	sor.u32 s6, s2;
	[tilespmem:s3+$0x0] =	vst v7;
	v7 =	vld.idx.msk [tilespmem:v1+s7+$0x0 ss:$0x1], $0xffff;
	v5 =	vadd.f32 v9, v5  }
0xb9: {  	s20 =	sor.u32 $0x20, s30;
	s24 =	sor.u32 $0x80, s4;
	v13 =	vld.idx.msk [tilespmem:v1+s4+$0x0 ss:$0x1], $0xffff;
	[tilespmem:s12+$0x0] =	vst v6;
	v6 =	vadd.f32 v10, v4  }
0xba: {  	p0 =	por !p0, !p0;
	s9 =	sor.u32 s6, s20;
	s3 =	rddreg [dreg:$0x4];
	v9 =	vld.idx.msk [tilespmem:v1+s24+$0x0 ss:$0x1], $0xffff;
	[tilespmem:s29+$0x0] =	vst v5  }
0xbb: {  	s1 =	sadd.s32 $0x4, s1;
	s23 =	sor.u32 $0x80, s9;
	s3 =	simm.s32 @!p0 $0x0;
	[tilespmem:s28+$0x0] =	vst v6;
	v6 =	vld.idx.msk [tilespmem:v0+s4+$0x0 ss:$0x1], $0xffff  }
0xbc: {  	[dreg:$0x7] =	wrdreg s1;
	v10 =	vld.idx.msk [tilespmem:v1+s23+$0x0 ss:$0x1], $0xffff;
	s12 =	sshll.u32 s3, $0x6;
	v5 =	vadd.f32 v8, v11  }
0xbd: {  	p1 =	slt.u32 s1, $0x3C;
	s8 =	sor.u32 s30, s6;
	s1 =	sadd.s32 s12, s31;
	v8 =	vld.idx.msk [tilespmem:v0+s9+$0x0 ss:$0x1], $0xffff;
	v7 =	vadd.f32 v7, v11  }
0xbe: {  	s16 =	sor.u32 $0x80, s8;
	v14 =	vld.idx.msk [tilespmem:v1+s9+$0x0 ss:$0x1], $0xffff;
	[tilespmem:v1+s11+$0x0 ss:$0x1] =	vst.idx.msk $0xffff, v5;
	s11 =	sadd.s32 $0x30, s1  }
0xbf: {  	v12 =	vld.idx.msk [tilespmem:v1+s16+$0x0 ss:$0x1], $0xffff;
	[tilespmem:v1+s7+$0x0 ss:$0x1] =	vst.idx.msk $0xffff, v7;
	s29 =	sor.u32 $0x100, s11  }
0xc0: {  	v9 =	vadd.f32 v9, v6;
	v7 =	vld.idx.msk [tilespmem:v1+s29+$0x0 ss:$0x1], $0xffff  }
0xc1: {  	v5 =	vld.idx.msk [tilespmem:v0+s8+$0x0 ss:$0x1], $0xffff;
	v13 =	vadd.f32 v13, v6  }
0xc2: {  	v15 =	vld.idx.msk [tilespmem:v1+s8+$0x0 ss:$0x1], $0xffff;
	s17 =	sadd.s32 $0x10, s1;
	[tilespmem:v1+s24+$0x0 ss:$0x1] =	vst.idx.msk $0xffff, v9;
	v9 =	vadd.f32 v10, v8  }
0xc3: {  	[dreg:$0x6] =	wrdreg s31;
	s31 =	sor.u32 $0x100, s17;
	v10 =	vld [tilespmem:s26+$0x0];
	[tilespmem:v1+s4+$0x0 ss:$0x1] =	vst.idx.msk $0xffff, v13;
	v51 =	vadd.f32 v14, v8  }
0xc4: {  	v55 =	vadd.f32 v16, v4;
	s22 =	sadd.s32 $0x20, s1;
	v17 =	vld.idx.msk [tilespmem:v1+s31+$0x0 ss:$0x1], $0xffff;
	[tilespmem:v1+s23+$0x0 ss:$0x1] =	vst.idx.msk $0xffff, v9  }
0xc5: {  	s25 =	sor.u32 $0x100, s22;
	[tilespmem:v1+s9+$0x0 ss:$0x1] =	vst.idx.msk $0xffff, v51;
	v9 =	vld [tilespmem:s18+$0x0];
	v7 =	vadd.f32 v7, v11  }
0xc6: {  	v12 =	vadd.f32 v12, v5;
	v54 =	vld.idx.msk [tilespmem:v1+s25+$0x0 ss:$0x1], $0xffff;
	[tilespmem:s21+$0x0] =	vst v55  }
0xc7: {  	v59 =	vld [tilespmem:s15+$0x0];
	v53 =	vadd.f32 v15, v5;
	[tilespmem:v1+s29+$0x0 ss:$0x1] =	vst.idx.msk $0xffff, v7  }
0xc8: {  	[dreg:$0xa] =	wrdreg s31;
	s12 =	sor.u32 $0x180, s11;
	[tilespmem:v1+s16+$0x0 ss:$0x1] =	vst.idx.msk $0xffff, v12;
	v7 =	vadd.f32 v10, v4;
	v10 =	vld [tilespmem:s14+$0x0]  }
0xc9: {  	s28 =	sor.u32 $0x100, s1;
	[dreg:$0xf] =	wrdreg s25;
	[tilespmem:v1+s8+$0x0 ss:$0x1] =	vst.idx.msk $0xffff, v53;
	v4 =	vadd.f32 v52, v4;
	v56 =	vld.idx.msk [tilespmem:v1+s12+$0x0 ss:$0x1], $0xffff  }
0xca: {  	s11 =	smov.u32 s28;
	[dreg:$0x12] =	wrdreg s12;
	v57 =	vld.idx.msk [tilespmem:v1+s28+$0x0 ss:$0x1], $0xffff;
	v58 =	vadd.f32 v17, v6;
	[tilespmem:s26+$0x0] =	vst v7  }
0xcb: {  	s17 =	sor.u32 $0x180, s17;
	[dreg:$0xc] =	wrdreg s11;
	v7 =	vadd.f32 v9, v2;
	v9 =	vld [tilespmem:s13+$0x0];
	[tilespmem:s5+$0x0] =	vst v4;
	v4 =	vadd.f32 v54, v8  }
0xcc: {  	v60 =	vld [tilespmem:s19+$0x0];
	s3 =	sor.u32 $0x180, s22;
	s9 =	smov.u32 s17;
	s8 =	rddreg [dreg:$0x5];
	[tilespmem:v1+s31+$0x0 ss:$0x1] =	vst.idx.msk $0xffff, v58  }
0xcd: {  	s22 =	sor.u32 $0x180, s1;
	[dreg:$0xb] =	wrdreg s9;
	s5 =	sadd.s32 s6, s8;
	v15 =	vld.idx.msk [tilespmem:v1+s17+$0x0 ss:$0x1], $0xffff;
	[tilespmem:v1+s25+$0x0 ss:$0x1] =	vst.idx.msk $0xffff, v4;
	v10 =	vadd.f32 v10, v2  }
0xce: {  	s28 =	rddreg [dreg:$0x9];
	s8 =	smov.u32 s3;
	[tilespmem:s18+$0x0] =	vst v7;
	v61 =	vld.idx.msk [tilespmem:v1+s3+$0x0 ss:$0x1], $0xffff;
	s3 =	sadd.s32 $0x1080, s5;
	v4 =	vadd.f32 v56, v11  }
0xcf: {  	[dreg:$0xd] =	wrdreg s8;
	s1 =	sadd.s32 $0x1000, s5;
	v7 =	vld [tilespmem:s28+$0x0];
	v11 =	vadd.f32 v57, v5;
	s17 =	sadd.s32 s30, s3;
	[tilespmem:s14+$0x0] =	vst v10  }
0xd0: {  	s4 =	sadd.s32 $0x3080, s5;
	s21 =	sadd.s32 s0, s3;
	v2 =	vadd.f32 v9, v2;
	v9 =	vld [tilespmem:s10+$0x0];
	[dreg:$0x17] =	wrdreg s17;
	[tilespmem:v1+s12+$0x0 ss:$0x1] =	vst.idx.msk $0xffff, v4  }
0xd1: {  	[tilespmem:v1+s11+$0x0 ss:$0x1] =	vst.idx.msk $0xffff, v11;
	s14 =	sadd.s32 s30, s1;
	s11 =	sadd.s32 s0, s1;
	v11 =	vadd.f32 v60, v3;
	s12 =	sadd.s32 $0x1100, s5;
	v10 =	vld.idx.msk [tilespmem:v0+s7+$0x0 ss:$0x1], $0xffff  }
0xd2: {  	v4 =	vadd.f32 v59, v3;
	[dreg:$0x15] =	wrdreg s14;
	v62 =	vld [tilespmem:s11+$0x0];
	[tilespmem:s13+$0x0] =	vst v2;
	s18 =	sadd.s32 s30, s12;
	s26 =	sadd.s32 s0, s12  }
0xd3: {  	v2 =	vadd.f32 v15, v6;
	v6 =	vld [tilespmem:s21+$0x0];
	[tilespmem:s19+$0x0] =	vst v11;
	s19 =	sadd.s32 s2, s3;
	[dreg:$0x13] =	wrdreg s18;
	s18 =	sadd.s32 $0x1180, s5  }
0xd4: {  	s13 =	sadd.s32 s20, s3;
	s3 =	sadd.s32 s30, s4;
	[tilespmem:s15+$0x0] =	vst v4;
	v4 =	vadd.f32 v7, v3;
	v7 =	vld [tilespmem:s26+$0x0];
	s7 =	sadd.s32 s0, s18  }
0xd5: {  	s6 =	sadd.s32 $0x3000, s5;
	[dreg:$0x10] =	wrdreg s3;
	s25 =	sadd.s32 s30, s18;
	[tilespmem:v1+s9+$0x0 ss:$0x1] =	vst.idx.msk $0xffff, v2;
	v2 =	vadd.f32 v61, v8;
	v8 =	vld [tilespmem:s7+$0x0]  }
0xd6: {  	s17 =	sadd.s32 s2, s1;
	s9 =	sadd.s32 s2, s12;
	v3 =	vadd.f32 v9, v3;
	v9 =	vld.idx.msk [tilespmem:v1+s22+$0x0 ss:$0x1], $0xffff;
	[dreg:$0x14] =	wrdreg s25;
	[tilespmem:s28+$0x0] =	vst v4  }
0xd7: {  	s25 =	sadd.s32 s20, s12;
	s12 =	sadd.s32 s30, s6;
	s28 =	sadd.s32 $0x3100, s5;
	v4 =	vld.idx.msk [tilespmem:v0+s24+$0x0 ss:$0x1], $0xffff;
	[tilespmem:v1+s8+$0x0 ss:$0x1] =	vst.idx.msk $0xffff, v2;
	v2 =	vadd.f32 v62, v10  }
0xd8: {  	s14 =	sadd.s32 s20, s1;
	[dreg:$0xe] =	wrdreg s12;
	s8 =	sadd.s32 s30, s28;
	[tilespmem:s10+$0x0] =	vst v3;
	v3 =	vld [tilespmem:s17+$0x0];
	v6 =	vadd.f32 v6, v10  }
0xd9: {  	s15 =	sadd.s32 s2, s18;
	s10 =	sadd.s32 s2, s4;
	[dreg:$0x9] =	wrdreg s8;
	v11 =	vld.idx.msk [tilespmem:v0+s23+$0x0 ss:$0x1], $0xffff;
	[tilespmem:s11+$0x0] =	vst v2;
	v2 =	vadd.f32 v7, v10  }
0xda: {  	s31 =	sadd.s32 s20, s18;
	s18 =	sadd.s32 s2, s28;
	[dreg:$0x1b] =	wrdreg s10;
	v7 =	vld [tilespmem:s19+$0x0];
	[tilespmem:s21+$0x0] =	vst v6;
	v6 =	vadd.f32 v8, v10  }
0xdb: {  	s12 =	sadd.s32 s2, s6;
	s24 =	sadd.s32 s20, s28;
	[dreg:$0x1a] =	wrdreg s18;
	v8 =	vld [tilespmem:s9+$0x0];
	[tilespmem:s26+$0x0] =	vst v2  }
0xdc: {  	s8 =	sadd.s32 s20, s6;
	s11 =	sadd.s32 s0, s6;
	s21 =	sadd.s32 $0x2000, s5;
	v2 =	vadd.f32 v9, v5;
	v5 =	vld [tilespmem:s15+$0x0];
	[tilespmem:s7+$0x0] =	vst v6  }
0xdd: {  	s26 =	sadd.s32 s0, s28;
	s28 =	sadd.s32 s0, s21;
	s7 =	sadd.s32 $0x2080, s5;
	v6 =	vld.idx.msk [tilespmem:v0+s29+$0x0 ss:$0x1], $0xffff  }
0xde: {  	s6 =	smov.u32 s22;
	[tilespmem:v1+s22+$0x0 ss:$0x1] =	vst.idx.msk $0xffff, v2;
	s29 =	sadd.s32 $0x2100, s5;
	v2 =	vadd.f32 v3, v4;
	v3 =	vld [tilespmem:s28+$0x0];
	s10 =	sadd.s32 s0, s7  }
0xdf: {  	s3 =	sadd.s32 s30, s21;
	s22 =	sadd.s32 $0x2180, s5;
	v9 =	vld [tilespmem:s10+$0x0];
	s1 =	sadd.s32 s0, s29  }
0xe0: {  	[dreg:$0x18] =	wrdreg s3;
	v7 =	vadd.f32 v7, v4;
	s3 =	sadd.s32 s0, s22;
	[tilespmem:s17+$0x0] =	vst v2;
	v2 =	vadd.f32 v8, v4;
	v8 =	vld [tilespmem:s1+$0x0]  }
0xe1: {  	s23 =	sadd.s32 s20, s4;
	[dreg:$0x16] =	wrdreg s24;
	v4 =	vadd.f32 v5, v4;
	v5 =	vld [tilespmem:s3+$0x0]  }
0xe2: {  	[dreg:$0x11] =	wrdreg s23;
	v10 =	vld [tilespmem:s25+$0x0];
	[tilespmem:s19+$0x0] =	vst v7  }
0xe3: {  	s18 =	sadd.s32 s0, s4;
	[dreg:$0x1c] =	wrdreg s26;
	[tilespmem:s9+$0x0] =	vst v2;
	v2 =	vld [tilespmem:s14+$0x0];
	v3 =	vadd.f32 v3, v6  }
0xe4: {  	s4 =	sadd.s32 s30, s7;
	s26 =	sadd.s32 s2, s7;
	s5 =	sadd.s32 $0x3180, s5;
	[tilespmem:s15+$0x0] =	vst v4;
	v4 =	vld [tilespmem:s13+$0x0];
	v9 =	vadd.f32 v9, v6  }
0xe5: {  	[dreg:$0x19] =	wrdreg s4;
	s24 =	sadd.s32 s30, s29;
	s23 =	sadd.s32 s30, s22;
	v7 =	vld.idx.msk [tilespmem:v0+s16+$0x0 ss:$0x1], $0xffff;
	[tilespmem:s28+$0x0] =	vst v3;
	v3 =	vadd.f32 v8, v6  }
0xe6: {  	s4 =	sadd.s32 s2, s21;
	s28 =	smov.u32 s8;
	v8 =	vld [tilespmem:s31+$0x0];
	s8 =	rddreg [dreg:$0x15];
	[tilespmem:s10+$0x0] =	vst v9;
	v5 =	vadd.f32 v5, v6  }
0xe7: {  	s17 =	sadd.s32 s2, s22;
	s15 =	sadd.s32 s20, s22;
	s22 =	rddreg [dreg:$0x17];
	v6 =	vld [tilespmem:s8+$0x0];
	[tilespmem:s1+$0x0] =	vst v3  }
0xe8: {  	s9 =	sadd.s32 s20, s21;
	s21 =	sadd.s32 s20, s7;
	s7 =	rddreg [dreg:$0x12];
	v3 =	vld [tilespmem:s22+$0x0];
	v9 =	vadd.f32 v2, v11;
	[tilespmem:s3+$0x0] =	vst v5  }
0xe9: {  	s0 =	sadd.s32 s0, s5;
	s19 =	sadd.s32 s2, s29;
	s16 =	sadd.s32 s20, s29;
	v4 =	vadd.f32 v4, v11;
	v2 =	vld.idx.msk [tilespmem:v0+s7+$0x0 ss:$0x1], $0xffff  }
0xea: {  	s29 =	sadd.s32 s2, s5;
	v5 =	vadd.f32 v10, v11;
	s7 =	smov.u32 s6;
	[tilespmem:s14+$0x0] =	vst v9;
	v9 =	vld [tilespmem:s0+$0x0];
	s6 =	rddreg [dreg:$0x13]  }
0xeb: {  	s14 =	smov.u32 s18;
	s18 =	smov.u32 s11;
	s11 =	rddreg [dreg:$0x14];
	v10 =	vld [tilespmem:s6+$0x0];
	[tilespmem:s13+$0x0] =	vst v4;
	v4 =	vadd.f32 v8, v11  }
0xec: {  	s10 =	sadd.s32 s30, s5;
	s5 =	sadd.s32 s20, s5;
	s20 =	rddreg [dreg:$0xa];
	v8 =	vld [tilespmem:s11+$0x0];
	[tilespmem:s25+$0x0] =	vst v5;
	v6 =	vadd.f32 v6, v7  }
0xed: {  	s30 =	rddreg [dreg:$0xf];
	v5 =	vld.idx.msk [tilespmem:v0+s20+$0x0 ss:$0x1], $0xffff;
	v3 =	vadd.f32 v3, v7;
	[tilespmem:s31+$0x0] =	vst v4  }
0xee: {  	[tilespmem:s8+$0x0] =	vst v6;
	v4 =	vld.idx.msk [tilespmem:v0+s30+$0x0 ss:$0x1], $0xffff  }
0xef: {  	[tilespmem:s22+$0x0] =	vst v3;
	v3 =	vld [tilespmem:s4+$0x0];
	v6 =	vadd.f32 v9, v2  }
0xf0: {  	v9 =	vadd.f32 v10, v7;
	v10 =	vld [tilespmem:s26+$0x0]  }
0xf1: {  	v7 =	vadd.f32 v8, v7;
	v8 =	vld [tilespmem:s19+$0x0];
	[tilespmem:s0+$0x0] =	vst v6  }
0xf2: {  	s1 =	rddreg [dreg:$0x7];
	v6 =	vld [tilespmem:s17+$0x0];
	[tilespmem:s6+$0x0] =	vst v9  }
0xf3: {  	s8 =	rddreg [dreg:$0xc];
	[tilespmem:s11+$0x0] =	vst v7;
	v7 =	vld [tilespmem:s9+$0x0]  }
0xf4: {  	s3 =	rddreg [dreg:$0x1b];
	v11 =	vld.idx.msk [tilespmem:v0+s8+$0x0 ss:$0x1], $0xffff;
	v3 =	vadd.f32 v3, v5  }
0xf5: {  	s13 =	rddreg [dreg:$0x1c];
	v9 =	vadd.f32 v10, v5;
	v10 =	vld [tilespmem:s21+$0x0]  }
0xf6: {  	s25 =	smov.u32 s12;
	s12 =	rddreg [dreg:$0x1a];
	[tilespmem:s4+$0x0] =	vst v3;
	v3 =	vadd.f32 v8, v5;
	v8 =	vld [tilespmem:s16+$0x0]  }
0xf7: {  	s11 =	rddreg [dreg:$0x18];
	v5 =	vadd.f32 v6, v5;
	v6 =	vld [tilespmem:s15+$0x0];
	[tilespmem:s26+$0x0] =	vst v9  }
0xf8: {  	s20 =	rddreg [dreg:$0x19];
	v9 =	vld [tilespmem:s11+$0x0];
	[tilespmem:s19+$0x0] =	vst v3;
	v3 =	vadd.f32 v7, v4  }
0xf9: {  	s31 =	rddreg [dreg:$0x6];
	v7 =	vld [tilespmem:s20+$0x0]  }
0xfa: {  	v63 =	vld [tilespmem:s24+$0x0];
	s30 =	rddreg [dreg:$0xd];
	[tilespmem:s9+$0x0] =	vst v3;
	v3 =	vadd.f32 v10, v4  }
0xfb: {  	s22 =	rddreg [dreg:$0xb];
	[tilespmem:s17+$0x0] =	vst v5;
	v10 =	vld [tilespmem:s23+$0x0];
	v8 =	vadd.f32 v8, v4  }
.Ltmp4:
0xfc: {  	s0 =	rddreg [dreg:$0x8];
	v5 =	vld.idx.msk [tilespmem:v0+s22+$0x0 ss:$0x1], $0xffff;
	v4 =	vadd.f32 v6, v4;
	[tilespmem:s21+$0x0] =	vst v3;
	(pc) =	sbr.rel @p1 .LBB2_3-.Ltmp4, $4  }
0xfd: {  	s26 =	rddreg [dreg:$0x16];
	v6 =	vadd.f32 v9, v11;
	v3 =	vld [tilespmem:s25+$0x0];
	[tilespmem:s16+$0x0] =	vst v8  }
0xfe: {  	s19 =	rddreg [dreg:$0x10];
	v8 =	vadd.f32 v7, v11;
	v7 =	vld [tilespmem:s3+$0x0];
	[tilespmem:s15+$0x0] =	vst v4  }
0xff: {  	s21 =	rddreg [dreg:$0x11];
	[tilespmem:s11+$0x0] =	vst v6;
	v4 =	vld.idx.msk [tilespmem:v0+s30+$0x0 ss:$0x1], $0xffff  }
0x100: {  	s0 =	sadd.s32 $0x40, s0;
	v9 =	vadd.f32 v63, v11;
	s15 =	rddreg [dreg:$0xe];
	v6 =	vld [tilespmem:s12+$0x0];
	[tilespmem:s20+$0x0] =	vst v8;
	v8 =	vadd.f32 v10, v11  }
0x101: {  	v1 =	vld [tilespmem:s28+$0x0];
	_ =	sdelay $0x4  }
0x102: {  	v1 =	vadd.f32 v1, v4;
	_ =	sdelay $0x1  }
0x103: {  	v46 =	vld [tilespmem:s29+$0x0];
	[tilespmem:s28+$0x0] =	vst v1  }
0x104: {  	v1 =	vld [tilespmem:s21+$0x0]  }
0x105: {  	[tilespmem:s24+$0x0] =	vst v9;
	v3 =	vadd.f32 v3, v5;
	v47 =	vld [tilespmem:s26+$0x0]  }
0x106: {  	[tilespmem:s23+$0x0] =	vst v8;
	v7 =	vadd.f32 v7, v5;
	v10 =	vld [tilespmem:s5+$0x0]  }
0x107: {  	v49 =	vld [tilespmem:s18+$0x0];
	[tilespmem:s25+$0x0] =	vst v3;
	v48 =	vadd.f32 v6, v5  }
0x108: {  	v51 =	vld [tilespmem:s14+$0x0];
	[tilespmem:s3+$0x0] =	vst v7;
	v50 =	vadd.f32 v46, v5  }
0x109: {  	[tilespmem:s12+$0x0] =	vst v48;
	v1 =	vadd.f32 v1, v4  }
0x10a: {  	[tilespmem:s29+$0x0] =	vst v50;
	v53 =	vadd.f32 v47, v4  }
0x10b: {  	v52 =	vld [tilespmem:s13+$0x0];
	v55 =	vadd.f32 v10, v4;
	[tilespmem:s21+$0x0] =	vst v1  }
0x10c: {  	v0 =	vld.idx.msk [tilespmem:v0+s7+$0x0 ss:$0x1], $0xffff;
	v57 =	vadd.f32 v49, v2;
	[tilespmem:s26+$0x0] =	vst v53  }
0x10d: {  	v54 =	vld [tilespmem:s15+$0x0];
	v59 =	vadd.f32 v51, v2;
	s2 =	rddreg [dreg:$0x9];
	[tilespmem:s5+$0x0] =	vst v55  }
0x10e: {  	v56 =	vld [tilespmem:s19+$0x0];
	[tilespmem:s18+$0x0] =	vst v57  }
0x10f: {  	v58 =	vld [tilespmem:s2+$0x0];
	[tilespmem:s14+$0x0] =	vst v59  }
0x110: {  	v60 =	vld [tilespmem:s10+$0x0];
	s7 =	sld [smem:$0x7F0]  }
0x111: {  	v61 =	vadd.f32 v52, v2  }
0x112: {  	v62 =	vadd.f32 v54, v0  }
0x113: {  	v1 =	vadd.f32 v56, v0;
	[tilespmem:s13+$0x0] =	vst v61;
	s0 =	sadd.s32 $0x5, s7  }
0x114: {  	[tilespmem:s15+$0x0] =	vst v62;
	s1 =	smul.u32 $0xAB, s0;
	v63 =	vadd.f32 v58, v0  }
0x115: {  	[tilespmem:s19+$0x0] =	vst v1;
	v0 =	vadd.f32 v60, v0  }
0x116: {  	s1 =	sshrl.u32 s1, $0xA;
	[tilespmem:s2+$0x0] =	vst v63  }
0x117: {  	s31 =	sadd.s32 $0xFFFFFFFF, s7;
	s1 =	sand.u32 $0x3F, s1;
	[tilespmem:s10+$0x0] =	vst v0  }
0x118: {  	p0 =	sgt.u32 s31, $0x39;
	s1 =	smul.u32 $0x6, s1;
	s3 =	sld [smem:$0x7F1]  }
.Ltmp5:
0x119: {  	s4 =	sld [smem:$0x7FC];
	(pc) =	sbr.rel @!p0 .LBB2_5-.Ltmp5, $4  }
0x11a: {  	s30 =	simm.s32 $0x0  }
0x11b: {  	s29 =	sshll.u32 s7, $0xB;
	s5 =	rddreg [dreg:$0x5];
	s1 =	ssub.s32 s0, s1  }
0x11c: {  	s3 =	sadd.s32 $0xD, s3;
	s2 =	sadd.s32 s29, s4;
	s1 =	sand.u32 $0xFF, s1  }
0x11d: {  	[hbm4b:s2+s30] =	stream.linear.scatter [tilespmem:s5], [sflag:s3], $0x4000, $0x38;
	[tilespmem:$0x1E000] =	vst v63  }
0x11e: {  	p0 =	sgt.u32 s7, $0x3A  }
.Ltmp6:
0x11f: {  	_ = 	snop;
	(pc) =	sbr.rel @p0 .LBB2_8-.Ltmp6, $4  }
.Ltmp7:
0x120: {  	_ = 	snop;
	(pc) =	sbr.rel @!p0 .LBB2_7-.Ltmp7, $4  }
0x121: {  	_ = 	snop  }
0x122: {  	_ = 	snop  }
0x123: {  	_ = 	snop  }
0x124: {  	_ = 	snop  }
.LBB2_10:
0x125: {  	_ =	sfence.sel $0x180000  }
0x126: {  	[bflag:$0x0] =	sbarrier.arrive $0xFFFF  }
0x127: {  	_ =	strace $0x90000047  }
0x128: {  	s0 =	stileid.u32;
	[bflag:$0x2] =	sbarrier.arrive $0xFFFF  }
0x129: {  	p0 =	sne.s32 s0, $0x0;
	s0 =	rddreg [dreg:$0x3]  }
0x12a: {  	s0 =	sadd.s32 @!p0 $0x100000, s0  }
0x12b: {  	[sflag:s0] =	ssyncadd.tile.s32 @!p0 $0x1;
	_ =	shalt  }
.Lfunc_end2:
_tile_overlayer_lowered:
.L_overlay_start_2:
0x12c: {  	(tag) =	ssettag $0x2  }
0x12d: {  	s0 =	rddreg [dreg:$0x0];
	s2 =	stileid.u32  }
0x12e: {  	s1 =	rddreg [dreg:$0x1];
	p0 =	sne.s32 s2, $0x0  }
0x12f: {  	s3 =	rddreg [dreg:$0x2];
	[bflag:$0x3] =	sbarrier.arrive $0xFFFF;
	s2 =	simm.s32 @!p0 $0x1C13  }
0x130: {  	[timem:s3], [sflag:s2] =	dma.local @!p0 [hbm:s0], s1  }
0x131: {  	s0 =	simm.s32 @!p0 $0x13  }
0x132: {  	_ =	swait.ge @!p0 [sflag:s0], s1  }
0x133: {  	s1 =	ssub.s32 @!p0 $0x0, s1;
	[sflag:s0] =	ssyncset.done @!p0 $0x0  }
0x134: {  	[sflag:s0] =	ssyncadd.s32 @!p0 s1  }
0x135: {  	[bflag:$0x3] =	sbarrier.arrive $0xFFFF  }
0x136: {  	_ =	shalt  }

</sc_bundles>
